<compile_context>
chip_gen: v7x
topology: tpu7x:2x2x1
jax: 0.10.2.dev20260603
libtpu: 0.0.44.dev20260713+nightly
codegen_flags: <defaults>
</compile_context>

<pallas_src>
import functools

import jax
import jax.numpy as jnp
from jax import lax
from jax.experimental import pallas as pl
from jax.experimental.pallas import tpu as pltpu
from jax.experimental.pallas import tpu_sc as plsc

_LANES = 16
_NC = 2
_NS = 16
_NW = _NC * _NS
_C = 4096
_NBUF = 2


def _regrid_body(M, N, zf_hbm, ilo_hbm, ihi_hbm, wlo_hbm, whi_hbm, out_hbm,
                 zrow, idxv, wv, outv,
                 isem0, isem1, osem0, osem1):
    isems = (isem0, isem1)
    osems = (osem0, osem1)
    nchunks = N // _C
    wid = lax.axis_index("s") * _NC + lax.axis_index("c")

    def start_in(k, c):
        sl = pl.ds(c * _C, _C)
        pltpu.async_copy(ilo_hbm.at[sl], idxv.at[k, 0], isems[k])
        pltpu.async_copy(ihi_hbm.at[sl], idxv.at[k, 1], isems[k])
        pltpu.async_copy(wlo_hbm.at[sl], wv.at[k, 0], isems[k])
        pltpu.async_copy(whi_hbm.at[sl], wv.at[k, 1], isems[k])

    def wait_in(k):
        sl = pl.ds(0, _C)
        pltpu.make_async_copy(ilo_hbm.at[sl], idxv.at[k, 0],
                              isems[k]).wait()
        pltpu.make_async_copy(ihi_hbm.at[sl], idxv.at[k, 1],
                              isems[k]).wait()
        pltpu.make_async_copy(wlo_hbm.at[sl], wv.at[k, 0],
                              isems[k]).wait()
        pltpu.make_async_copy(whi_hbm.at[sl], wv.at[k, 1],
                              isems[k]).wait()

    def wait_out(k):
        pltpu.make_async_copy(outv.at[k],
                              out_hbm.at[pl.ds(0, 2), pl.ds(0, _C)],
                              osems[k]).wait()

    mask16 = jnp.full((_LANES,), 0xFFFF, jnp.int32)
    maskhi = jnp.full((_LANES,), -65536, jnp.int32)
    one16 = jnp.full((_LANES,), 1, jnp.int32)
    half16 = jnp.full((_LANES,), 0x7FFF, jnp.int32)

    b0 = 2 * wid

    def rne(x):
        odd = lax.bitwise_and(lax.shift_right_logical(x, 16), one16)
        return x + half16 + odd

    def stage(s, _):
        pltpu.sync_copy(zf_hbm.at[pl.ds(b0, 2), pl.ds(s * _C, _C)],
                        outv.at[0])

        @plsc.parallel_loop(0, _C // _LANES, unroll=4)
        def _pack(i):
            e = plsc.bitcast(outv[0, 0, pl.ds(i * _LANES, _LANES)],
                             jnp.int32)
            o = plsc.bitcast(outv[0, 1, pl.ds(i * _LANES, _LANES)],
                             jnp.int32)
            lo = lax.shift_right_logical(rne(e), 16)
            hi = lax.bitwise_and(rne(o), maskhi)
            zrow[pl.ds(s * _C + i * _LANES, _LANES)] = \
                lax.bitwise_or(lo, hi)
        return _

    lax.fori_loop(0, M // _C, stage, 0)

    for k in range(_NBUF):
        start_in(k, k)

    def pair_body(j, _):
        for k in range(_NBUF):
            c = _NBUF * j + k
            wait_in(k)

            @pl.when(j >= 1)
            def _wait():
                wait_out(k)

            @plsc.parallel_loop(0, _C // _LANES, unroll=8)
            def _inner(i):
                v01 = idxv[k, 0, pl.ds(i * _LANES, _LANES)]
                v23 = idxv[k, 1, pl.ds(i * _LANES, _LANES)]
                w01 = wv[k, 0, pl.ds(i * _LANES, _LANES)]
                w23 = wv[k, 1, pl.ds(i * _LANES, _LANES)]
                i0 = lax.bitwise_and(v01, mask16)
                i1 = lax.shift_right_logical(v01, 16)
                i2 = lax.bitwise_and(v23, mask16)
                i3 = lax.shift_right_logical(v23, 16)
                w0 = plsc.bitcast(lax.shift_left(w01, 16), jnp.float32)
                w1 = plsc.bitcast(lax.bitwise_and(w01, maskhi), jnp.float32)
                w2 = plsc.bitcast(lax.shift_left(w23, 16), jnp.float32)
                w3 = plsc.bitcast(lax.bitwise_and(w23, maskhi), jnp.float32)
                g0 = plsc.load_gather(zrow, [i0])
                g1 = plsc.load_gather(zrow, [i1])
                g2 = plsc.load_gather(zrow, [i2])
                g3 = plsc.load_gather(zrow, [i3])
                acc0 = w0 * plsc.bitcast(lax.shift_left(g0, 16), jnp.float32)
                acc1 = w0 * plsc.bitcast(lax.bitwise_and(g0, maskhi),
                                         jnp.float32)
                acc0 = acc0 + w1 * plsc.bitcast(lax.shift_left(g1, 16),
                                                jnp.float32)
                acc1 = acc1 + w1 * plsc.bitcast(lax.bitwise_and(g1, maskhi),
                                                jnp.float32)
                acc0 = acc0 + w2 * plsc.bitcast(lax.shift_left(g2, 16),
                                                jnp.float32)
                acc1 = acc1 + w2 * plsc.bitcast(lax.bitwise_and(g2, maskhi),
                                                jnp.float32)
                acc0 = acc0 + w3 * plsc.bitcast(lax.shift_left(g3, 16),
                                                jnp.float32)
                acc1 = acc1 + w3 * plsc.bitcast(lax.bitwise_and(g3, maskhi),
                                                jnp.float32)
                outv[k, 0, pl.ds(i * _LANES, _LANES)] = acc0
                outv[k, 1, pl.ds(i * _LANES, _LANES)] = acc1

            pltpu.async_copy(outv.at[k],
                             out_hbm.at[pl.ds(b0, 2), pl.ds(c * _C, _C)],
                             osems[k])

            @pl.when(j < nchunks // _NBUF - 1)
            def _next():
                start_in(k, c + _NBUF)
        return _

    lax.fori_loop(0, nchunks // _NBUF, pair_body, 0)
    for k in range(_NBUF):
        wait_out(k)


def _regrid(zf, ilo, ihi, wlo, whi):
    B, M = zf.shape
    N = ilo.shape[0]
    mesh = plsc.VectorSubcoreMesh(
        core_axis_name="c", subcore_axis_name="s",
        num_cores=_NC, num_subcores=_NS)
    fn = pl.kernel(
        functools.partial(_regrid_body, M, N),
        out_type=jax.ShapeDtypeStruct((B, N), jnp.float32),
        mesh=mesh,
        compiler_params=pltpu.CompilerParams(needs_layout_passes=False),
        scratch_types=[
            pltpu.VMEM((M,), jnp.int32),
            pltpu.VMEM((_NBUF, 2, _C), jnp.int32),
            pltpu.VMEM((_NBUF, 2, _C), jnp.int32),
            pltpu.VMEM((_NBUF, 2, _C), jnp.float32),
            pltpu.SemaphoreType.DMA,
            pltpu.SemaphoreType.DMA,
            pltpu.SemaphoreType.DMA,
            pltpu.SemaphoreType.DMA,
        ],
    )
    return fn(zf, ilo, ihi, wlo, whi)


def kernel(z, index, weight):
    batch = z.shape[:-1]
    M = z.shape[-1]
    out_shape = index.shape[:-1]
    P = index.shape[-1]
    zf = z.reshape(-1, M)
    idx = index.reshape(-1, P)
    ilo = lax.bitwise_or(idx[:, 0], lax.shift_left(idx[:, 1], 16))
    ihi = lax.bitwise_or(idx[:, 2], lax.shift_left(idx[:, 3], 16))
    w16 = lax.bitcast_convert_type(
        weight.reshape(-1, P).astype(jnp.bfloat16), jnp.uint16
    ).astype(jnp.int32)
    wlo = lax.bitwise_or(w16[:, 0], lax.shift_left(w16[:, 1], 16))
    whi = lax.bitwise_or(w16[:, 2], lax.shift_left(w16[:, 3], 16))
    out = _regrid(zf, ilo, ihi, wlo, whi)
    return out.reshape(batch + out_shape)

# --- scband reference (transcript-rebuilt; emitter-appended) ---
"""Pipeline reference for scband-regridder-75780402971020 (READ-ONLY COPY).

The authoritative reference and input builder live on the scoring server;
editing this copy changes nothing except your own understanding.
"""

import jax, jax.numpy as jnp
import numpy as np


def setup_inputs(seed: int = 0) -> dict:
    key = jax.random.key(seed)
    k1, k2, k3 = jax.random.split(key, 3)
    z = jax.random.normal(k1, (2, 32, 65536), dtype=jnp.float32)
    # buffers of the module: index in [0, m) where m = z.shape[-1]; weight positive interp weights
    index = jax.random.randint(k2, (256, 512, 4), 0, 65536, dtype=jnp.int32)
    weight = jax.random.uniform(k3, (256, 512, 4), dtype=jnp.float32)
    return {"z": z, "index": index, "weight": weight}


def reference(z, index, weight):
    # torch: zrs = z.view(-1, x).T ; embedding_bag(index, zrs, per_sample_weights=weight, mode='sum')
    batch = z.shape[:-1]
    x = z.shape[-1]
    zrs = z.reshape(-1, x).T  # (x, B) -- acts as embedding table with x rows
    out_shape = index.shape[:-1]
    p = index.shape[-1]
    idx = index.reshape(-1, p)      # (N, p)
    w = weight.reshape(-1, p)       # (N, p)
    gathered = jnp.take(zrs, idx, axis=0)           # (N, p, B) gather rows
    out = jnp.einsum('npb,np->nb', gathered, w)     # weighted sum over p (mode='sum')
    out = out.T                                      # (B, N)
    return out.reshape(batch + out_shape)

if __name__ == "__main__":
    import jax
    _d = setup_inputs()
    print(jax.jit(kernel)(*tuple(_d.values())))

</pallas_src>

<mosaic_0001>
#map = affine_map<(d0, d1) -> (0, 0)>
#map1 = affine_map<(d0, d1) -> (0)>
module attributes {stable_mosaic.version = 14 : i64} {
  func.func @_regrid_body(%arg0: i32, %arg1: i32, %arg2: memref<64x65536xf32, #tpu.memory_space<hbm>>, %arg3: memref<131072xi32, #tpu.memory_space<hbm>>, %arg4: memref<131072xi32, #tpu.memory_space<hbm>>, %arg5: memref<131072xi32, #tpu.memory_space<hbm>>, %arg6: memref<131072xi32, #tpu.memory_space<hbm>>, %arg7: memref<64x131072xf32, #tpu.memory_space<hbm>>, %arg8: memref<65536xi32, #tpu.memory_space<vmem>>, %arg9: memref<2x2x4096xi32, #tpu.memory_space<vmem>>, %arg10: memref<2x2x4096xi32, #tpu.memory_space<vmem>>, %arg11: memref<2x2x4096xf32, #tpu.memory_space<vmem>>, %arg12: memref<!tpu.dma_semaphore, #tpu.memory_space<semaphore_mem>>, %arg13: memref<!tpu.dma_semaphore, #tpu.memory_space<semaphore_mem>>, %arg14: memref<!tpu.dma_semaphore, #tpu.memory_space<semaphore_mem>>, %arg15: memref<!tpu.dma_semaphore, #tpu.memory_space<semaphore_mem>>) attributes {dimension_semantics = [#tpu.dimension_semantics<core_parallel>, #tpu.dimension_semantics<subcore_parallel>], iteration_bounds = array<i64: 2, 16>, scalar_prefetch = 0 : i64, scratch_operands = 8 : i64, tpu.core_type = #tpu.core_type<sc_vector_subcore>, window_params = [{transform_indices = #map}, {transform_indices = #map1}, {transform_indices = #map1}, {transform_indices = #map1}, {transform_indices = #map1}, {transform_indices = #map}]} {
    %mul3A = arith.constant 2 : i32
    %mul3A_0 = arith.muli %arg1, %mul3A : i32
    %add3A = arith.addi %mul3A_0, %arg0 : i32
    %broadcast_in_dim3A = arith.constant 65535 : i32
    %broadcast_in_dim3A_1 = vector.broadcast %broadcast_in_dim3A : i32 to vector<16xi32>
    %broadcast_in_dim3A_2 = arith.constant -65536 : i32
    %broadcast_in_dim3A_3 = vector.broadcast %broadcast_in_dim3A_2 : i32 to vector<16xi32>
    %broadcast_in_dim3A_4 = arith.constant 1 : i32
    %broadcast_in_dim3A_5 = vector.broadcast %broadcast_in_dim3A_4 : i32 to vector<16xi32>
    %broadcast_in_dim3A_6 = arith.constant 32767 : i32
    %broadcast_in_dim3A_7 = vector.broadcast %broadcast_in_dim3A_6 : i32 to vector<16xi32>
    %mul3A_8 = arith.constant 2 : i32
    %mul3A_9 = arith.muli %mul3A_8, %add3A : i32
    %scan3A = arith.constant 0 : i32
    %scan3A_10 = arith.constant 0 : i32
    %scan3A_11 = arith.constant 16 : i32
    %scan3A_12 = arith.addi %scan3A_10, %scan3A_11 : i32
    %scan3A_13 = arith.constant 1 : i32
    scf.for %scan3A_145 = %scan3A_10 to %scan3A_12 step %scan3A_13  : i32 {
      %mul3A_146 = arith.constant 4096 : i32
      %mul3A_147 = arith.muli %scan3A_145, %mul3A_146 : i32
      %run_scoped3A = arith.constant 0 : i32
      "tpu.region"() ({
        %run_scoped3A_150 = tpu.sem_alloc : memref<!tpu.dma_semaphore, #tpu.memory_space<semaphore_mem>>
        %dma_start3A_151 = arith.constant 0 : i32
        %dma_start3A_152 = arith.constant 0 : i32
        %dma_start3A_153 = tpu.memref_slice %arg11[%run_scoped3A, %dma_start3A_151, %dma_start3A_152] : memref<2x2x4096xf32, #tpu.memory_space<vmem>> -> memref<1x2x4096xf32, #tpu.memory_space<vmem>>
        %dma_start3A_154 = tpu.memref_squeeze %dma_start3A_153 : memref<1x2x4096xf32, #tpu.memory_space<vmem>> -> memref<2x4096xf32, #tpu.memory_space<vmem>>
        %dma_start3A_155 = tpu.memref_slice %arg2[%mul3A_9, %mul3A_147] : memref<64x65536xf32, #tpu.memory_space<hbm>> -> memref<2x4096xf32, #tpu.memory_space<hbm>>
        %dma_start3A_156 = arith.constant 0 : i32
        %dma_start3A_157 = arith.constant 0 : i32
        %dma_start3A_158 = tpu.memref_slice %arg11[%run_scoped3A, %dma_start3A_156, %dma_start3A_157] : memref<2x2x4096xf32, #tpu.memory_space<vmem>> -> memref<1x2x4096xf32, #tpu.memory_space<vmem>>
        %dma_start3A_159 = tpu.memref_squeeze %dma_start3A_158 : memref<1x2x4096xf32, #tpu.memory_space<vmem>> -> memref<2x4096xf32, #tpu.memory_space<vmem>>
        %dma_start3A_160 = tpu.memref_slice %arg2[%mul3A_9, %mul3A_147] : memref<64x65536xf32, #tpu.memory_space<hbm>> -> memref<2x4096xf32, #tpu.memory_space<hbm>>
        tpu.enqueue_dma source(%dma_start3A_160 : memref<2x4096xf32, #tpu.memory_space<hbm>>) target(%dma_start3A_159 : memref<2x4096xf32, #tpu.memory_space<vmem>>) target_semaphore(%run_scoped3A_150 : memref<!tpu.dma_semaphore, #tpu.memory_space<semaphore_mem>>)
        %dma_wait3A_161 = arith.constant 0 : i32
        %dma_wait3A_162 = arith.constant 0 : i32
        %dma_wait3A_163 = tpu.memref_slice %arg11[%run_scoped3A, %dma_wait3A_161, %dma_wait3A_162] : memref<2x2x4096xf32, #tpu.memory_space<vmem>> -> memref<1x2x4096xf32, #tpu.memory_space<vmem>>
        %dma_wait3A_164 = tpu.memref_squeeze %dma_wait3A_163 : memref<1x2x4096xf32, #tpu.memory_space<vmem>> -> memref<2x4096xf32, #tpu.memory_space<vmem>>
        %dma_wait3A_165 = tpu.memref_slice %arg2[%mul3A_9, %mul3A_147] : memref<64x65536xf32, #tpu.memory_space<hbm>> -> memref<2x4096xf32, #tpu.memory_space<hbm>>
        %dma_wait3A_166 = arith.constant 0 : i32
        %dma_wait3A_167 = arith.constant 0 : i32
        %dma_wait3A_168 = tpu.memref_slice %arg11[%run_scoped3A, %dma_wait3A_166, %dma_wait3A_167] : memref<2x2x4096xf32, #tpu.memory_space<vmem>> -> memref<1x2x4096xf32, #tpu.memory_space<vmem>>
        %dma_wait3A_169 = tpu.memref_squeeze %dma_wait3A_168 : memref<1x2x4096xf32, #tpu.memory_space<vmem>> -> memref<2x4096xf32, #tpu.memory_space<vmem>>
        %dma_wait3A_170 = tpu.memref_slice %arg2[%mul3A_9, %mul3A_147] : memref<64x65536xf32, #tpu.memory_space<hbm>> -> memref<2x4096xf32, #tpu.memory_space<hbm>>
        tpu.wait_dma2 semaphore(%run_scoped3A_150 : memref<!tpu.dma_semaphore, #tpu.memory_space<semaphore_mem>>) src(%dma_wait3A_170 : memref<2x4096xf32, #tpu.memory_space<hbm>>) dst(%dma_wait3A_169 : memref<2x4096xf32, #tpu.memory_space<vmem>>)
        tpu.yield
      }) : () -> ()
      %parallel_loop3A = arith.constant 0 : i32
      %parallel_loop3A_148 = arith.constant 256 : i32
      %parallel_loop3A_149 = arith.constant 1 : i32
      scf.for %parallel_loop3A_150 = %parallel_loop3A to %parallel_loop3A_148 step %parallel_loop3A_149  : i32 {
        %parallel_loop3A_151 = arith.constant 16 : i32
        %parallel_loop3A_152 = arith.muli %parallel_loop3A_150, %parallel_loop3A_151 : i32
        %parallel_loop3A_153 = arith.constant 0 : i32
        %parallel_loop3A_154 = arith.constant 0 : i32
        %parallel_loop3A_155 = arith.index_cast %parallel_loop3A_153 : i32 to index
        %parallel_loop3A_156 = arith.index_cast %parallel_loop3A_154 : i32 to index
        %parallel_loop3A_157 = arith.index_cast %parallel_loop3A_152 : i32 to index
        %parallel_loop3A_158 = tpu.vector_load %arg11[%parallel_loop3A_155, %parallel_loop3A_156, %parallel_loop3A_157] {strides = array<i32>} : memref<2x2x4096xf32, #tpu.memory_space<vmem>>, vector<16xf32>,
        %parallel_loop3A_159 = vector.bitcast %parallel_loop3A_158 : vector<16xf32> to vector<16xi32>
        %parallel_loop3A_160 = arith.constant 16 : i32
        %parallel_loop3A_161 = arith.muli %parallel_loop3A_150, %parallel_loop3A_160 : i32
        %parallel_loop3A_162 = arith.constant 0 : i32
        %parallel_loop3A_163 = arith.constant 1 : i32
        %parallel_loop3A_164 = arith.index_cast %parallel_loop3A_162 : i32 to index
        %parallel_loop3A_165 = arith.index_cast %parallel_loop3A_163 : i32 to index
        %parallel_loop3A_166 = arith.index_cast %parallel_loop3A_161 : i32 to index
        %parallel_loop3A_167 = tpu.vector_load %arg11[%parallel_loop3A_164, %parallel_loop3A_165, %parallel_loop3A_166] {strides = array<i32>} : memref<2x2x4096xf32, #tpu.memory_space<vmem>>, vector<16xf32>,
        %parallel_loop3A_168 = vector.bitcast %parallel_loop3A_167 : vector<16xf32> to vector<16xi32>
        %parallel_loop3A_169 = arith.constant 16 : i32
        %parallel_loop3A_170 = vector.broadcast %parallel_loop3A_169 : i32 to vector<16xi32>
        %parallel_loop3A_171 = arith.shrui %parallel_loop3A_159, %parallel_loop3A_170 : vector<16xi32>
        %parallel_loop3A_172 = arith.andi %parallel_loop3A_171, %broadcast_in_dim3A_5 : vector<16xi32>
        %parallel_loop3A_173 = arith.addi %parallel_loop3A_159, %broadcast_in_dim3A_7 : vector<16xi32>
        %parallel_loop3A_174 = arith.addi %parallel_loop3A_173, %parallel_loop3A_172 : vector<16xi32>
        %parallel_loop3A_175 = arith.constant 16 : i32
        %parallel_loop3A_176 = vector.broadcast %parallel_loop3A_175 : i32 to vector<16xi32>
        %parallel_loop3A_177 = arith.shrui %parallel_loop3A_174, %parallel_loop3A_176 : vector<16xi32>
        %parallel_loop3A_178 = arith.constant 16 : i32
        %parallel_loop3A_179 = vector.broadcast %parallel_loop3A_178 : i32 to vector<16xi32>
        %parallel_loop3A_180 = arith.shrui %parallel_loop3A_168, %parallel_loop3A_179 : vector<16xi32>
        %parallel_loop3A_181 = arith.andi %parallel_loop3A_180, %broadcast_in_dim3A_5 : vector<16xi32>
        %parallel_loop3A_182 = arith.addi %parallel_loop3A_168, %broadcast_in_dim3A_7 : vector<16xi32>
        %parallel_loop3A_183 = arith.addi %parallel_loop3A_182, %parallel_loop3A_181 : vector<16xi32>
        %parallel_loop3A_184 = arith.andi %parallel_loop3A_183, %broadcast_in_dim3A_3 : vector<16xi32>
        %parallel_loop3A_185 = arith.ori %parallel_loop3A_177, %parallel_loop3A_184 : vector<16xi32>
        %parallel_loop3A_186 = arith.constant 4096 : i32
        %parallel_loop3A_187 = arith.muli %scan3A_145, %parallel_loop3A_186 : i32
        %parallel_loop3A_188 = arith.constant 16 : i32
        %parallel_loop3A_189 = arith.muli %parallel_loop3A_150, %parallel_loop3A_188 : i32
        %parallel_loop3A_190 = arith.addi %parallel_loop3A_187, %parallel_loop3A_189 : i32
        %parallel_loop3A_191 = arith.index_cast %parallel_loop3A_190 : i32 to index
        %parallel_loop3A_192 = tpu.vector_load %arg8[%parallel_loop3A_191] {strides = array<i32>} : memref<65536xi32, #tpu.memory_space<vmem>>, vector<16xi32>,
        tpu.vector_store %arg8[%parallel_loop3A_191], %parallel_loop3A_185 {strides = array<i32>} : memref<65536xi32, #tpu.memory_space<vmem>>, vector<16xi32>,
      } {sc.loop_unroll_factor = 4 : i64, sc.parallel_access}
    }
    %scan3A_14 = arith.constant 16 : i32
    %dma_start3A = arith.constant 0 : i32
    %dma_start3A_15 = arith.constant 0 : i32
    %dma_start3A_16 = arith.constant 0 : i32
    %dma_start3A_17 = tpu.memref_slice %arg9[%dma_start3A, %dma_start3A_15, %dma_start3A_16] : memref<2x2x4096xi32, #tpu.memory_space<vmem>> -> memref<1x1x4096xi32, #tpu.memory_space<vmem>>
    %dma_start3A_18 = tpu.memref_squeeze %dma_start3A_17 : memref<1x1x4096xi32, #tpu.memory_space<vmem>> -> memref<4096xi32, #tpu.memory_space<vmem>>
    %dma_start3A_19 = arith.constant 0 : i32
    %dma_start3A_20 = tpu.memref_slice %arg3[%dma_start3A_19] : memref<131072xi32, #tpu.memory_space<hbm>> -> memref<4096xi32, #tpu.memory_space<hbm>>
    %dma_start3A_21 = arith.constant 0 : i32
    %dma_start3A_22 = tpu.memref_slice %arg9[%dma_start3A, %dma_start3A_15, %dma_start3A_21] : memref<2x2x4096xi32, #tpu.memory_space<vmem>> -> memref<1x1x4096xi32, #tpu.memory_space<vmem>>
    %dma_start3A_23 = tpu.memref_squeeze %dma_start3A_22 : memref<1x1x4096xi32, #tpu.memory_space<vmem>> -> memref<4096xi32, #tpu.memory_space<vmem>>
    %dma_start3A_24 = arith.constant 0 : i32
    %dma_start3A_25 = tpu.memref_slice %arg3[%dma_start3A_24] : memref<131072xi32, #tpu.memory_space<hbm>> -> memref<4096xi32, #tpu.memory_space<hbm>>
    tpu.enqueue_dma source(%dma_start3A_25 : memref<4096xi32, #tpu.memory_space<hbm>>) target(%dma_start3A_23 : memref<4096xi32, #tpu.memory_space<vmem>>) target_semaphore(%arg12 : memref<!tpu.dma_semaphore, #tpu.memory_space<semaphore_mem>>)
    %dma_start3A_26 = arith.constant 0 : i32
    %dma_start3A_27 = arith.constant 1 : i32
    %dma_start3A_28 = arith.constant 0 : i32
    %dma_start3A_29 = tpu.memref_slice %arg9[%dma_start3A_26, %dma_start3A_27, %dma_start3A_28] : memref<2x2x4096xi32, #tpu.memory_space<vmem>> -> memref<1x1x4096xi32, #tpu.memory_space<vmem>>
    %dma_start3A_30 = tpu.memref_squeeze %dma_start3A_29 : memref<1x1x4096xi32, #tpu.memory_space<vmem>> -> memref<4096xi32, #tpu.memory_space<vmem>>
    %dma_start3A_31 = arith.constant 0 : i32
    %dma_start3A_32 = tpu.memref_slice %arg4[%dma_start3A_31] : memref<131072xi32, #tpu.memory_space<hbm>> -> memref<4096xi32, #tpu.memory_space<hbm>>
    %dma_start3A_33 = arith.constant 0 : i32
    %dma_start3A_34 = tpu.memref_slice %arg9[%dma_start3A_26, %dma_start3A_27, %dma_start3A_33] : memref<2x2x4096xi32, #tpu.memory_space<vmem>> -> memref<1x1x4096xi32, #tpu.memory_space<vmem>>
    %dma_start3A_35 = tpu.memref_squeeze %dma_start3A_34 : memref<1x1x4096xi32, #tpu.memory_space<vmem>> -> memref<4096xi32, #tpu.memory_space<vmem>>
    %dma_start3A_36 = arith.constant 0 : i32
    %dma_start3A_37 = tpu.memref_slice %arg4[%dma_start3A_36] : memref<131072xi32, #tpu.memory_space<hbm>> -> memref<4096xi32, #tpu.memory_space<hbm>>
    tpu.enqueue_dma source(%dma_start3A_37 : memref<4096xi32, #tpu.memory_space<hbm>>) target(%dma_start3A_35 : memref<4096xi32, #tpu.memory_space<vmem>>) target_semaphore(%arg12 : memref<!tpu.dma_semaphore, #tpu.memory_space<semaphore_mem>>)
    %dma_start3A_38 = arith.constant 0 : i32
    %dma_start3A_39 = arith.constant 0 : i32
    %dma_start3A_40 = arith.constant 0 : i32
    %dma_start3A_41 = tpu.memref_slice %arg10[%dma_start3A_38, %dma_start3A_39, %dma_start3A_40] : memref<2x2x4096xi32, #tpu.memory_space<vmem>> -> memref<1x1x4096xi32, #tpu.memory_space<vmem>>
    %dma_start3A_42 = tpu.memref_squeeze %dma_start3A_41 : memref<1x1x4096xi32, #tpu.memory_space<vmem>> -> memref<4096xi32, #tpu.memory_space<vmem>>
    %dma_start3A_43 = arith.constant 0 : i32
    %dma_start3A_44 = tpu.memref_slice %arg5[%dma_start3A_43] : memref<131072xi32, #tpu.memory_space<hbm>> -> memref<4096xi32, #tpu.memory_space<hbm>>
    %dma_start3A_45 = arith.constant 0 : i32
    %dma_start3A_46 = tpu.memref_slice %arg10[%dma_start3A_38, %dma_start3A_39, %dma_start3A_45] : memref<2x2x4096xi32, #tpu.memory_space<vmem>> -> memref<1x1x4096xi32, #tpu.memory_space<vmem>>
    %dma_start3A_47 = tpu.memref_squeeze %dma_start3A_46 : memref<1x1x4096xi32, #tpu.memory_space<vmem>> -> memref<4096xi32, #tpu.memory_space<vmem>>
    %dma_start3A_48 = arith.constant 0 : i32
    %dma_start3A_49 = tpu.memref_slice %arg5[%dma_start3A_48] : memref<131072xi32, #tpu.memory_space<hbm>> -> memref<4096xi32, #tpu.memory_space<hbm>>
    tpu.enqueue_dma source(%dma_start3A_49 : memref<4096xi32, #tpu.memory_space<hbm>>) target(%dma_start3A_47 : memref<4096xi32, #tpu.memory_space<vmem>>) target_semaphore(%arg12 : memref<!tpu.dma_semaphore, #tpu.memory_space<semaphore_mem>>)
    %dma_start3A_50 = arith.constant 0 : i32
    %dma_start3A_51 = arith.constant 1 : i32
    %dma_start3A_52 = arith.constant 0 : i32
    %dma_start3A_53 = tpu.memref_slice %arg10[%dma_start3A_50, %dma_start3A_51, %dma_start3A_52] : memref<2x2x4096xi32, #tpu.memory_space<vmem>> -> memref<1x1x4096xi32, #tpu.memory_space<vmem>>
    %dma_start3A_54 = tpu.memref_squeeze %dma_start3A_53 : memref<1x1x4096xi32, #tpu.memory_space<vmem>> -> memref<4096xi32, #tpu.memory_space<vmem>>
    %dma_start3A_55 = arith.constant 0 : i32
    %dma_start3A_56 = tpu.memref_slice %arg6[%dma_start3A_55] : memref<131072xi32, #tpu.memory_space<hbm>> -> memref<4096xi32, #tpu.memory_space<hbm>>
    %dma_start3A_57 = arith.constant 0 : i32
    %dma_start3A_58 = tpu.memref_slice %arg10[%dma_start3A_50, %dma_start3A_51, %dma_start3A_57] : memref<2x2x4096xi32, #tpu.memory_space<vmem>> -> memref<1x1x4096xi32, #tpu.memory_space<vmem>>
    %dma_start3A_59 = tpu.memref_squeeze %dma_start3A_58 : memref<1x1x4096xi32, #tpu.memory_space<vmem>> -> memref<4096xi32, #tpu.memory_space<vmem>>
    %dma_start3A_60 = arith.constant 0 : i32
    %dma_start3A_61 = tpu.memref_slice %arg6[%dma_start3A_60] : memref<131072xi32, #tpu.memory_space<hbm>> -> memref<4096xi32, #tpu.memory_space<hbm>>
    tpu.enqueue_dma source(%dma_start3A_61 : memref<4096xi32, #tpu.memory_space<hbm>>) target(%dma_start3A_59 : memref<4096xi32, #tpu.memory_space<vmem>>) target_semaphore(%arg12 : memref<!tpu.dma_semaphore, #tpu.memory_space<semaphore_mem>>)
    %dma_start3A_62 = arith.constant 1 : i32
    %dma_start3A_63 = arith.constant 0 : i32
    %dma_start3A_64 = arith.constant 0 : i32
    %dma_start3A_65 = tpu.memref_slice %arg9[%dma_start3A_62, %dma_start3A_63, %dma_start3A_64] : memref<2x2x4096xi32, #tpu.memory_space<vmem>> -> memref<1x1x4096xi32, #tpu.memory_space<vmem>>
    %dma_start3A_66 = tpu.memref_squeeze %dma_start3A_65 : memref<1x1x4096xi32, #tpu.memory_space<vmem>> -> memref<4096xi32, #tpu.memory_space<vmem>>
    %dma_start3A_67 = arith.constant 4096 : i32
    %dma_start3A_68 = tpu.memref_slice %arg3[%dma_start3A_67] : memref<131072xi32, #tpu.memory_space<hbm>> -> memref<4096xi32, #tpu.memory_space<hbm>>
    %dma_start3A_69 = arith.constant 0 : i32
    %dma_start3A_70 = tpu.memref_slice %arg9[%dma_start3A_62, %dma_start3A_63, %dma_start3A_69] : memref<2x2x4096xi32, #tpu.memory_space<vmem>> -> memref<1x1x4096xi32, #tpu.memory_space<vmem>>
    %dma_start3A_71 = tpu.memref_squeeze %dma_start3A_70 : memref<1x1x4096xi32, #tpu.memory_space<vmem>> -> memref<4096xi32, #tpu.memory_space<vmem>>
    %dma_start3A_72 = arith.constant 4096 : i32
    %dma_start3A_73 = tpu.memref_slice %arg3[%dma_start3A_72] : memref<131072xi32, #tpu.memory_space<hbm>> -> memref<4096xi32, #tpu.memory_space<hbm>>
    tpu.enqueue_dma source(%dma_start3A_73 : memref<4096xi32, #tpu.memory_space<hbm>>) target(%dma_start3A_71 : memref<4096xi32, #tpu.memory_space<vmem>>) target_semaphore(%arg13 : memref<!tpu.dma_semaphore, #tpu.memory_space<semaphore_mem>>)
    %dma_start3A_74 = arith.constant 1 : i32
    %dma_start3A_75 = arith.constant 1 : i32
    %dma_start3A_76 = arith.constant 0 : i32
    %dma_start3A_77 = tpu.memref_slice %arg9[%dma_start3A_74, %dma_start3A_75, %dma_start3A_76] : memref<2x2x4096xi32, #tpu.memory_space<vmem>> -> memref<1x1x4096xi32, #tpu.memory_space<vmem>>
    %dma_start3A_78 = tpu.memref_squeeze %dma_start3A_77 : memref<1x1x4096xi32, #tpu.memory_space<vmem>> -> memref<4096xi32, #tpu.memory_space<vmem>>
    %dma_start3A_79 = arith.constant 4096 : i32
    %dma_start3A_80 = tpu.memref_slice %arg4[%dma_start3A_79] : memref<131072xi32, #tpu.memory_space<hbm>> -> memref<4096xi32, #tpu.memory_space<hbm>>
    %dma_start3A_81 = arith.constant 0 : i32
    %dma_start3A_82 = tpu.memref_slice %arg9[%dma_start3A_74, %dma_start3A_75, %dma_start3A_81] : memref<2x2x4096xi32, #tpu.memory_space<vmem>> -> memref<1x1x4096xi32, #tpu.memory_space<vmem>>
    %dma_start3A_83 = tpu.memref_squeeze %dma_start3A_82 : memref<1x1x4096xi32, #tpu.memory_space<vmem>> -> memref<4096xi32, #tpu.memory_space<vmem>>
    %dma_start3A_84 = arith.constant 4096 : i32
    %dma_start3A_85 = tpu.memref_slice %arg4[%dma_start3A_84] : memref<131072xi32, #tpu.memory_space<hbm>> -> memref<4096xi32, #tpu.memory_space<hbm>>
    tpu.enqueue_dma source(%dma_start3A_85 : memref<4096xi32, #tpu.memory_space<hbm>>) target(%dma_start3A_83 : memref<4096xi32, #tpu.memory_space<vmem>>) target_semaphore(%arg13 : memref<!tpu.dma_semaphore, #tpu.memory_space<semaphore_mem>>)
    %dma_start3A_86 = arith.constant 1 : i32
    %dma_start3A_87 = arith.constant 0 : i32
    %dma_start3A_88 = arith.constant 0 : i32
    %dma_start3A_89 = tpu.memref_slice %arg10[%dma_start3A_86, %dma_start3A_87, %dma_start3A_88] : memref<2x2x4096xi32, #tpu.memory_space<vmem>> -> memref<1x1x4096xi32, #tpu.memory_space<vmem>>
    %dma_start3A_90 = tpu.memref_squeeze %dma_start3A_89 : memref<1x1x4096xi32, #tpu.memory_space<vmem>> -> memref<4096xi32, #tpu.memory_space<vmem>>
    %dma_start3A_91 = arith.constant 4096 : i32
    %dma_start3A_92 = tpu.memref_slice %arg5[%dma_start3A_91] : memref<131072xi32, #tpu.memory_space<hbm>> -> memref<4096xi32, #tpu.memory_space<hbm>>
    %dma_start3A_93 = arith.constant 0 : i32
    %dma_start3A_94 = tpu.memref_slice %arg10[%dma_start3A_86, %dma_start3A_87, %dma_start3A_93] : memref<2x2x4096xi32, #tpu.memory_space<vmem>> -> memref<1x1x4096xi32, #tpu.memory_space<vmem>>
    %dma_start3A_95 = tpu.memref_squeeze %dma_start3A_94 : memref<1x1x4096xi32, #tpu.memory_space<vmem>> -> memref<4096xi32, #tpu.memory_space<vmem>>
    %dma_start3A_96 = arith.constant 4096 : i32
    %dma_start3A_97 = tpu.memref_slice %arg5[%dma_start3A_96] : memref<131072xi32, #tpu.memory_space<hbm>> -> memref<4096xi32, #tpu.memory_space<hbm>>
    tpu.enqueue_dma source(%dma_start3A_97 : memref<4096xi32, #tpu.memory_space<hbm>>) target(%dma_start3A_95 : memref<4096xi32, #tpu.memory_space<vmem>>) target_semaphore(%arg13 : memref<!tpu.dma_semaphore, #tpu.memory_space<semaphore_mem>>)
    %dma_start3A_98 = arith.constant 1 : i32
    %dma_start3A_99 = arith.constant 1 : i32
    %dma_start3A_100 = arith.constant 0 : i32
    %dma_start3A_101 = tpu.memref_slice %arg10[%dma_start3A_98, %dma_start3A_99, %dma_start3A_100] : memref<2x2x4096xi32, #tpu.memory_space<vmem>> -> memref<1x1x4096xi32, #tpu.memory_space<vmem>>
    %dma_start3A_102 = tpu.memref_squeeze %dma_start3A_101 : memref<1x1x4096xi32, #tpu.memory_space<vmem>> -> memref<4096xi32, #tpu.memory_space<vmem>>
    %dma_start3A_103 = arith.constant 4096 : i32
    %dma_start3A_104 = tpu.memref_slice %arg6[%dma_start3A_103] : memref<131072xi32, #tpu.memory_space<hbm>> -> memref<4096xi32, #tpu.memory_space<hbm>>
    %dma_start3A_105 = arith.constant 0 : i32
    %dma_start3A_106 = tpu.memref_slice %arg10[%dma_start3A_98, %dma_start3A_99, %dma_start3A_105] : memref<2x2x4096xi32, #tpu.memory_space<vmem>> -> memref<1x1x4096xi32, #tpu.memory_space<vmem>>
    %dma_start3A_107 = tpu.memref_squeeze %dma_start3A_106 : memref<1x1x4096xi32, #tpu.memory_space<vmem>> -> memref<4096xi32, #tpu.memory_space<vmem>>
    %dma_start3A_108 = arith.constant 4096 : i32
    %dma_start3A_109 = tpu.memref_slice %arg6[%dma_start3A_108] : memref<131072xi32, #tpu.memory_space<hbm>> -> memref<4096xi32, #tpu.memory_space<hbm>>
    tpu.enqueue_dma source(%dma_start3A_109 : memref<4096xi32, #tpu.memory_space<hbm>>) target(%dma_start3A_107 : memref<4096xi32, #tpu.memory_space<vmem>>) target_semaphore(%arg13 : memref<!tpu.dma_semaphore, #tpu.memory_space<semaphore_mem>>)
    %scan3A_110 = arith.constant 0 : i32
    %scan3A_111 = arith.constant 0 : i32
    %scan3A_112 = arith.constant 16 : i32
    %scan3A_113 = arith.addi %scan3A_111, %scan3A_112 : i32
    %scan3A_114 = arith.constant 1 : i32
    scf.for %scan3A_145 = %scan3A_111 to %scan3A_113 step %scan3A_114  : i32 {
      %mul3A_146 = arith.constant 2 : i32
      %mul3A_147 = arith.muli %mul3A_146, %scan3A_145 : i32
      %add3A_148 = arith.constant 0 : i32
      %add3A_149 = arith.addi %mul3A_147, %add3A_148 : i32
      %dma_wait3A_150 = arith.constant 0 : i32
      %dma_wait3A_151 = arith.constant 0 : i32
      %dma_wait3A_152 = arith.constant 0 : i32
      %dma_wait3A_153 = tpu.memref_slice %arg9[%dma_wait3A_150, %dma_wait3A_151, %dma_wait3A_152] : memref<2x2x4096xi32, #tpu.memory_space<vmem>> -> memref<1x1x4096xi32, #tpu.memory_space<vmem>>
      %dma_wait3A_154 = tpu.memref_squeeze %dma_wait3A_153 : memref<1x1x4096xi32, #tpu.memory_space<vmem>> -> memref<4096xi32, #tpu.memory_space<vmem>>
      %dma_wait3A_155 = arith.constant 0 : i32
      %dma_wait3A_156 = tpu.memref_slice %arg3[%dma_wait3A_155] : memref<131072xi32, #tpu.memory_space<hbm>> -> memref<4096xi32, #tpu.memory_space<hbm>>
      %dma_wait3A_157 = arith.constant 0 : i32
      %dma_wait3A_158 = tpu.memref_slice %arg9[%dma_wait3A_150, %dma_wait3A_151, %dma_wait3A_157] : memref<2x2x4096xi32, #tpu.memory_space<vmem>> -> memref<1x1x4096xi32, #tpu.memory_space<vmem>>
      %dma_wait3A_159 = tpu.memref_squeeze %dma_wait3A_158 : memref<1x1x4096xi32, #tpu.memory_space<vmem>> -> memref<4096xi32, #tpu.memory_space<vmem>>
      %dma_wait3A_160 = arith.constant 0 : i32
      %dma_wait3A_161 = tpu.memref_slice %arg3[%dma_wait3A_160] : memref<131072xi32, #tpu.memory_space<hbm>> -> memref<4096xi32, #tpu.memory_space<hbm>>
      tpu.wait_dma2 semaphore(%arg12 : memref<!tpu.dma_semaphore, #tpu.memory_space<semaphore_mem>>) src(%dma_wait3A_161 : memref<4096xi32, #tpu.memory_space<hbm>>) dst(%dma_wait3A_159 : memref<4096xi32, #tpu.memory_space<vmem>>)
      %dma_wait3A_162 = arith.constant 0 : i32
      %dma_wait3A_163 = arith.constant 1 : i32
      %dma_wait3A_164 = arith.constant 0 : i32
      %dma_wait3A_165 = tpu.memref_slice %arg9[%dma_wait3A_162, %dma_wait3A_163, %dma_wait3A_164] : memref<2x2x4096xi32, #tpu.memory_space<vmem>> -> memref<1x1x4096xi32, #tpu.memory_space<vmem>>
      %dma_wait3A_166 = tpu.memref_squeeze %dma_wait3A_165 : memref<1x1x4096xi32, #tpu.memory_space<vmem>> -> memref<4096xi32, #tpu.memory_space<vmem>>
      %dma_wait3A_167 = arith.constant 0 : i32
      %dma_wait3A_168 = tpu.memref_slice %arg4[%dma_wait3A_167] : memref<131072xi32, #tpu.memory_space<hbm>> -> memref<4096xi32, #tpu.memory_space<hbm>>
      %dma_wait3A_169 = arith.constant 0 : i32
      %dma_wait3A_170 = tpu.memref_slice %arg9[%dma_wait3A_162, %dma_wait3A_163, %dma_wait3A_169] : memref<2x2x4096xi32, #tpu.memory_space<vmem>> -> memref<1x1x4096xi32, #tpu.memory_space<vmem>>
      %dma_wait3A_171 = tpu.memref_squeeze %dma_wait3A_170 : memref<1x1x4096xi32, #tpu.memory_space<vmem>> -> memref<4096xi32, #tpu.memory_space<vmem>>
      %dma_wait3A_172 = arith.constant 0 : i32
      %dma_wait3A_173 = tpu.memref_slice %arg4[%dma_wait3A_172] : memref<131072xi32, #tpu.memory_space<hbm>> -> memref<4096xi32, #tpu.memory_space<hbm>>
      tpu.wait_dma2 semaphore(%arg12 : memref<!tpu.dma_semaphore, #tpu.memory_space<semaphore_mem>>) src(%dma_wait3A_173 : memref<4096xi32, #tpu.memory_space<hbm>>) dst(%dma_wait3A_171 : memref<4096xi32, #tpu.memory_space<vmem>>)
      %dma_wait3A_174 = arith.constant 0 : i32
      %dma_wait3A_175 = arith.constant 0 : i32
      %dma_wait3A_176 = arith.constant 0 : i32
      %dma_wait3A_177 = tpu.memref_slice %arg10[%dma_wait3A_174, %dma_wait3A_175, %dma_wait3A_176] : memref<2x2x4096xi32, #tpu.memory_space<vmem>> -> memref<1x1x4096xi32, #tpu.memory_space<vmem>>
      %dma_wait3A_178 = tpu.memref_squeeze %dma_wait3A_177 : memref<1x1x4096xi32, #tpu.memory_space<vmem>> -> memref<4096xi32, #tpu.memory_space<vmem>>
      %dma_wait3A_179 = arith.constant 0 : i32
      %dma_wait3A_180 = tpu.memref_slice %arg5[%dma_wait3A_179] : memref<131072xi32, #tpu.memory_space<hbm>> -> memref<4096xi32, #tpu.memory_space<hbm>>
      %dma_wait3A_181 = arith.constant 0 : i32
      %dma_wait3A_182 = tpu.memref_slice %arg10[%dma_wait3A_174, %dma_wait3A_175, %dma_wait3A_181] : memref<2x2x4096xi32, #tpu.memory_space<vmem>> -> memref<1x1x4096xi32, #tpu.memory_space<vmem>>
      %dma_wait3A_183 = tpu.memref_squeeze %dma_wait3A_182 : memref<1x1x4096xi32, #tpu.memory_space<vmem>> -> memref<4096xi32, #tpu.memory_space<vmem>>
      %dma_wait3A_184 = arith.constant 0 : i32
      %dma_wait3A_185 = tpu.memref_slice %arg5[%dma_wait3A_184] : memref<131072xi32, #tpu.memory_space<hbm>> -> memref<4096xi32, #tpu.memory_space<hbm>>
      tpu.wait_dma2 semaphore(%arg12 : memref<!tpu.dma_semaphore, #tpu.memory_space<semaphore_mem>>) src(%dma_wait3A_185 : memref<4096xi32, #tpu.memory_space<hbm>>) dst(%dma_wait3A_183 : memref<4096xi32, #tpu.memory_space<vmem>>)
      %dma_wait3A_186 = arith.constant 0 : i32
      %dma_wait3A_187 = arith.constant 1 : i32
      %dma_wait3A_188 = arith.constant 0 : i32
      %dma_wait3A_189 = tpu.memref_slice %arg10[%dma_wait3A_186, %dma_wait3A_187, %dma_wait3A_188] : memref<2x2x4096xi32, #tpu.memory_space<vmem>> -> memref<1x1x4096xi32, #tpu.memory_space<vmem>>
      %dma_wait3A_190 = tpu.memref_squeeze %dma_wait3A_189 : memref<1x1x4096xi32, #tpu.memory_space<vmem>> -> memref<4096xi32, #tpu.memory_space<vmem>>
      %dma_wait3A_191 = arith.constant 0 : i32
      %dma_wait3A_192 = tpu.memref_slice %arg6[%dma_wait3A_191] : memref<131072xi32, #tpu.memory_space<hbm>> -> memref<4096xi32, #tpu.memory_space<hbm>>
      %dma_wait3A_193 = arith.constant 0 : i32
      %dma_wait3A_194 = tpu.memref_slice %arg10[%dma_wait3A_186, %dma_wait3A_187, %dma_wait3A_193] : memref<2x2x4096xi32, #tpu.memory_space<vmem>> -> memref<1x1x4096xi32, #tpu.memory_space<vmem>>
      %dma_wait3A_195 = tpu.memref_squeeze %dma_wait3A_194 : memref<1x1x4096xi32, #tpu.memory_space<vmem>> -> memref<4096xi32, #tpu.memory_space<vmem>>
      %dma_wait3A_196 = arith.constant 0 : i32
      %dma_wait3A_197 = tpu.memref_slice %arg6[%dma_wait3A_196] : memref<131072xi32, #tpu.memory_space<hbm>> -> memref<4096xi32, #tpu.memory_space<hbm>>
      tpu.wait_dma2 semaphore(%arg12 : memref<!tpu.dma_semaphore, #tpu.memory_space<semaphore_mem>>) src(%dma_wait3A_197 : memref<4096xi32, #tpu.memory_space<hbm>>) dst(%dma_wait3A_195 : memref<4096xi32, #tpu.memory_space<vmem>>)
      %ge3A = arith.constant 1 : i32
      %ge3A_198 = arith.cmpi sge, %scan3A_145, %ge3A : i32
      %convert_element_type3A = arith.extui %ge3A_198 : i1 to i32
      %cond3A = arith.constant 0 : i32
      %cond3A_199 = arith.cmpi ne, %convert_element_type3A, %cond3A : i32
      scf.if %cond3A_199 {
        %dma_wait3A_297 = arith.constant 0 : i32
        %dma_wait3A_298 = arith.constant 0 : i32
        %dma_wait3A_299 = arith.constant 0 : i32
        %dma_wait3A_300 = tpu.memref_slice %arg11[%dma_wait3A_297, %dma_wait3A_298, %dma_wait3A_299] : memref<2x2x4096xf32, #tpu.memory_space<vmem>> -> memref<1x2x4096xf32, #tpu.memory_space<vmem>>
        %dma_wait3A_301 = tpu.memref_squeeze %dma_wait3A_300 : memref<1x2x4096xf32, #tpu.memory_space<vmem>> -> memref<2x4096xf32, #tpu.memory_space<vmem>>
        %dma_wait3A_302 = arith.constant 0 : i32
        %dma_wait3A_303 = arith.constant 0 : i32
        %dma_wait3A_304 = tpu.memref_slice %arg7[%dma_wait3A_302, %dma_wait3A_303] : memref<64x131072xf32, #tpu.memory_space<hbm>> -> memref<2x4096xf32, #tpu.memory_space<hbm>>
        %dma_wait3A_305 = arith.constant 0 : i32
        %dma_wait3A_306 = arith.constant 0 : i32
        %dma_wait3A_307 = tpu.memref_slice %arg7[%dma_wait3A_305, %dma_wait3A_306] : memref<64x131072xf32, #tpu.memory_space<hbm>> -> memref<2x4096xf32, #tpu.memory_space<hbm>>
        %dma_wait3A_308 = arith.constant 0 : i32
        %dma_wait3A_309 = arith.constant 0 : i32
        %dma_wait3A_310 = tpu.memref_slice %arg11[%dma_wait3A_297, %dma_wait3A_308, %dma_wait3A_309] : memref<2x2x4096xf32, #tpu.memory_space<vmem>> -> memref<1x2x4096xf32, #tpu.memory_space<vmem>>
        %dma_wait3A_311 = tpu.memref_squeeze %dma_wait3A_310 : memref<1x2x4096xf32, #tpu.memory_space<vmem>> -> memref<2x4096xf32, #tpu.memory_space<vmem>>
        tpu.wait_dma2 semaphore(%arg14 : memref<!tpu.dma_semaphore, #tpu.memory_space<semaphore_mem>>) src(%dma_wait3A_311 : memref<2x4096xf32, #tpu.memory_space<vmem>>) dst(%dma_wait3A_307 : memref<2x4096xf32, #tpu.memory_space<hbm>>)
      } else {
      }
      %parallel_loop3A = arith.constant 0 : i32
      %parallel_loop3A_200 = arith.constant 256 : i32
      %parallel_loop3A_201 = arith.constant 1 : i32
      scf.for %parallel_loop3A_297 = %parallel_loop3A to %parallel_loop3A_200 step %parallel_loop3A_201  : i32 {
        %parallel_loop3A_298 = arith.constant 16 : i32
        %parallel_loop3A_299 = arith.muli %parallel_loop3A_297, %parallel_loop3A_298 : i32
        %parallel_loop3A_300 = arith.constant 0 : i32
        %parallel_loop3A_301 = arith.constant 0 : i32
        %parallel_loop3A_302 = arith.index_cast %parallel_loop3A_300 : i32 to index
        %parallel_loop3A_303 = arith.index_cast %parallel_loop3A_301 : i32 to index
        %parallel_loop3A_304 = arith.index_cast %parallel_loop3A_299 : i32 to index
        %parallel_loop3A_305 = tpu.vector_load %arg9[%parallel_loop3A_302, %parallel_loop3A_303, %parallel_loop3A_304] {strides = array<i32>} : memref<2x2x4096xi32, #tpu.memory_space<vmem>>, vector<16xi32>,
        %parallel_loop3A_306 = arith.constant 16 : i32
        %parallel_loop3A_307 = arith.muli %parallel_loop3A_297, %parallel_loop3A_306 : i32
        %parallel_loop3A_308 = arith.constant 0 : i32
        %parallel_loop3A_309 = arith.constant 1 : i32
        %parallel_loop3A_310 = arith.index_cast %parallel_loop3A_308 : i32 to index
        %parallel_loop3A_311 = arith.index_cast %parallel_loop3A_309 : i32 to index
        %parallel_loop3A_312 = arith.index_cast %parallel_loop3A_307 : i32 to index
        %parallel_loop3A_313 = tpu.vector_load %arg9[%parallel_loop3A_310, %parallel_loop3A_311, %parallel_loop3A_312] {strides = array<i32>} : memref<2x2x4096xi32, #tpu.memory_space<vmem>>, vector<16xi32>,
        %parallel_loop3A_314 = arith.constant 16 : i32
        %parallel_loop3A_315 = arith.muli %parallel_loop3A_297, %parallel_loop3A_314 : i32
        %parallel_loop3A_316 = arith.constant 0 : i32
        %parallel_loop3A_317 = arith.constant 0 : i32
        %parallel_loop3A_318 = arith.index_cast %parallel_loop3A_316 : i32 to index
        %parallel_loop3A_319 = arith.index_cast %parallel_loop3A_317 : i32 to index
        %parallel_loop3A_320 = arith.index_cast %parallel_loop3A_315 : i32 to index
        %parallel_loop3A_321 = tpu.vector_load %arg10[%parallel_loop3A_318, %parallel_loop3A_319, %parallel_loop3A_320] {strides = array<i32>} : memref<2x2x4096xi32, #tpu.memory_space<vmem>>, vector<16xi32>,
        %parallel_loop3A_322 = arith.constant 16 : i32
        %parallel_loop3A_323 = arith.muli %parallel_loop3A_297, %parallel_loop3A_322 : i32
        %parallel_loop3A_324 = arith.constant 0 : i32
        %parallel_loop3A_325 = arith.constant 1 : i32
        %parallel_loop3A_326 = arith.index_cast %parallel_loop3A_324 : i32 to index
        %parallel_loop3A_327 = arith.index_cast %parallel_loop3A_325 : i32 to index
        %parallel_loop3A_328 = arith.index_cast %parallel_loop3A_323 : i32 to index
        %parallel_loop3A_329 = tpu.vector_load %arg10[%parallel_loop3A_326, %parallel_loop3A_327, %parallel_loop3A_328] {strides = array<i32>} : memref<2x2x4096xi32, #tpu.memory_space<vmem>>, vector<16xi32>,
        %parallel_loop3A_330 = arith.andi %parallel_loop3A_305, %broadcast_in_dim3A_1 : vector<16xi32>
        %parallel_loop3A_331 = arith.constant 16 : i32
        %parallel_loop3A_332 = vector.broadcast %parallel_loop3A_331 : i32 to vector<16xi32>
        %parallel_loop3A_333 = arith.shrui %parallel_loop3A_305, %parallel_loop3A_332 : vector<16xi32>
        %parallel_loop3A_334 = arith.andi %parallel_loop3A_313, %broadcast_in_dim3A_1 : vector<16xi32>
        %parallel_loop3A_335 = arith.constant 16 : i32
        %parallel_loop3A_336 = vector.broadcast %parallel_loop3A_335 : i32 to vector<16xi32>
        %parallel_loop3A_337 = arith.shrui %parallel_loop3A_313, %parallel_loop3A_336 : vector<16xi32>
        %parallel_loop3A_338 = arith.constant 16 : i32
        %parallel_loop3A_339 = vector.broadcast %parallel_loop3A_338 : i32 to vector<16xi32>
        %parallel_loop3A_340 = arith.shli %parallel_loop3A_321, %parallel_loop3A_339 : vector<16xi32>
        %parallel_loop3A_341 = vector.bitcast %parallel_loop3A_340 : vector<16xi32> to vector<16xf32>
        %parallel_loop3A_342 = arith.andi %parallel_loop3A_321, %broadcast_in_dim3A_3 : vector<16xi32>
        %parallel_loop3A_343 = vector.bitcast %parallel_loop3A_342 : vector<16xi32> to vector<16xf32>
        %parallel_loop3A_344 = arith.constant 16 : i32
        %parallel_loop3A_345 = vector.broadcast %parallel_loop3A_344 : i32 to vector<16xi32>
        %parallel_loop3A_346 = arith.shli %parallel_loop3A_329, %parallel_loop3A_345 : vector<16xi32>
        %parallel_loop3A_347 = vector.bitcast %parallel_loop3A_346 : vector<16xi32> to vector<16xf32>
        %parallel_loop3A_348 = arith.andi %parallel_loop3A_329, %broadcast_in_dim3A_3 : vector<16xi32>
        %parallel_loop3A_349 = vector.bitcast %parallel_loop3A_348 : vector<16xi32> to vector<16xf32>
        %parallel_loop3A_350 = tpu.vector_load_idx %arg8[%parallel_loop3A_330] : memref<65536xi32, #tpu.memory_space<vmem>>[vector<16xi32>], vector<16xi32>,
        %parallel_loop3A_351 = tpu.vector_load_idx %arg8[%parallel_loop3A_333] : memref<65536xi32, #tpu.memory_space<vmem>>[vector<16xi32>], vector<16xi32>,
        %parallel_loop3A_352 = tpu.vector_load_idx %arg8[%parallel_loop3A_334] : memref<65536xi32, #tpu.memory_space<vmem>>[vector<16xi32>], vector<16xi32>,
        %parallel_loop3A_353 = tpu.vector_load_idx %arg8[%parallel_loop3A_337] : memref<65536xi32, #tpu.memory_space<vmem>>[vector<16xi32>], vector<16xi32>,
        %parallel_loop3A_354 = arith.constant 16 : i32
        %parallel_loop3A_355 = vector.broadcast %parallel_loop3A_354 : i32 to vector<16xi32>
        %parallel_loop3A_356 = arith.shli %parallel_loop3A_350, %parallel_loop3A_355 : vector<16xi32>
        %parallel_loop3A_357 = vector.bitcast %parallel_loop3A_356 : vector<16xi32> to vector<16xf32>
        %parallel_loop3A_358 = arith.mulf %parallel_loop3A_341, %parallel_loop3A_357 : vector<16xf32>
        %parallel_loop3A_359 = arith.andi %parallel_loop3A_350, %broadcast_in_dim3A_3 : vector<16xi32>
        %parallel_loop3A_360 = vector.bitcast %parallel_loop3A_359 : vector<16xi32> to vector<16xf32>
        %parallel_loop3A_361 = arith.mulf %parallel_loop3A_341, %parallel_loop3A_360 : vector<16xf32>
        %parallel_loop3A_362 = arith.constant 16 : i32
        %parallel_loop3A_363 = vector.broadcast %parallel_loop3A_362 : i32 to vector<16xi32>
        %parallel_loop3A_364 = arith.shli %parallel_loop3A_351, %parallel_loop3A_363 : vector<16xi32>
        %parallel_loop3A_365 = vector.bitcast %parallel_loop3A_364 : vector<16xi32> to vector<16xf32>
        %parallel_loop3A_366 = arith.mulf %parallel_loop3A_343, %parallel_loop3A_365 : vector<16xf32>
        %parallel_loop3A_367 = arith.addf %parallel_loop3A_358, %parallel_loop3A_366 : vector<16xf32>
        %parallel_loop3A_368 = arith.andi %parallel_loop3A_351, %broadcast_in_dim3A_3 : vector<16xi32>
        %parallel_loop3A_369 = vector.bitcast %parallel_loop3A_368 : vector<16xi32> to vector<16xf32>
        %parallel_loop3A_370 = arith.mulf %parallel_loop3A_343, %parallel_loop3A_369 : vector<16xf32>
        %parallel_loop3A_371 = arith.addf %parallel_loop3A_361, %parallel_loop3A_370 : vector<16xf32>
        %parallel_loop3A_372 = arith.constant 16 : i32
        %parallel_loop3A_373 = vector.broadcast %parallel_loop3A_372 : i32 to vector<16xi32>
        %parallel_loop3A_374 = arith.shli %parallel_loop3A_352, %parallel_loop3A_373 : vector<16xi32>
        %parallel_loop3A_375 = vector.bitcast %parallel_loop3A_374 : vector<16xi32> to vector<16xf32>
        %parallel_loop3A_376 = arith.mulf %parallel_loop3A_347, %parallel_loop3A_375 : vector<16xf32>
        %parallel_loop3A_377 = arith.addf %parallel_loop3A_367, %parallel_loop3A_376 : vector<16xf32>
        %parallel_loop3A_378 = arith.andi %parallel_loop3A_352, %broadcast_in_dim3A_3 : vector<16xi32>
        %parallel_loop3A_379 = vector.bitcast %parallel_loop3A_378 : vector<16xi32> to vector<16xf32>
        %parallel_loop3A_380 = arith.mulf %parallel_loop3A_347, %parallel_loop3A_379 : vector<16xf32>
        %parallel_loop3A_381 = arith.addf %parallel_loop3A_371, %parallel_loop3A_380 : vector<16xf32>
        %parallel_loop3A_382 = arith.constant 16 : i32
        %parallel_loop3A_383 = vector.broadcast %parallel_loop3A_382 : i32 to vector<16xi32>
        %parallel_loop3A_384 = arith.shli %parallel_loop3A_353, %parallel_loop3A_383 : vector<16xi32>
        %parallel_loop3A_385 = vector.bitcast %parallel_loop3A_384 : vector<16xi32> to vector<16xf32>
        %parallel_loop3A_386 = arith.mulf %parallel_loop3A_349, %parallel_loop3A_385 : vector<16xf32>
        %parallel_loop3A_387 = arith.addf %parallel_loop3A_377, %parallel_loop3A_386 : vector<16xf32>
        %parallel_loop3A_388 = arith.andi %parallel_loop3A_353, %broadcast_in_dim3A_3 : vector<16xi32>
        %parallel_loop3A_389 = vector.bitcast %parallel_loop3A_388 : vector<16xi32> to vector<16xf32>
        %parallel_loop3A_390 = arith.mulf %parallel_loop3A_349, %parallel_loop3A_389 : vector<16xf32>
        %parallel_loop3A_391 = arith.addf %parallel_loop3A_381, %parallel_loop3A_390 : vector<16xf32>
        %parallel_loop3A_392 = arith.constant 16 : i32
        %parallel_loop3A_393 = arith.muli %parallel_loop3A_297, %parallel_loop3A_392 : i32
        %parallel_loop3A_394 = arith.constant 0 : i32
        %parallel_loop3A_395 = arith.constant 0 : i32
        %parallel_loop3A_396 = arith.index_cast %parallel_loop3A_394 : i32 to index
        %parallel_loop3A_397 = arith.index_cast %parallel_loop3A_395 : i32 to index
        %parallel_loop3A_398 = arith.index_cast %parallel_loop3A_393 : i32 to index
        %parallel_loop3A_399 = tpu.vector_load %arg11[%parallel_loop3A_396, %parallel_loop3A_397, %parallel_loop3A_398] {strides = array<i32>} : memref<2x2x4096xf32, #tpu.memory_space<vmem>>, vector<16xf32>,
        tpu.vector_store %arg11[%parallel_loop3A_396, %parallel_loop3A_397, %parallel_loop3A_398], %parallel_loop3A_387 {strides = array<i32>} : memref<2x2x4096xf32, #tpu.memory_space<vmem>>, vector<16xf32>,
        %parallel_loop3A_400 = arith.constant 16 : i32
        %parallel_loop3A_401 = arith.muli %parallel_loop3A_297, %parallel_loop3A_400 : i32
        %parallel_loop3A_402 = arith.constant 0 : i32
        %parallel_loop3A_403 = arith.constant 1 : i32
        %parallel_loop3A_404 = arith.index_cast %parallel_loop3A_402 : i32 to index
        %parallel_loop3A_405 = arith.index_cast %parallel_loop3A_403 : i32 to index
        %parallel_loop3A_406 = arith.index_cast %parallel_loop3A_401 : i32 to index
        %parallel_loop3A_407 = tpu.vector_load %arg11[%parallel_loop3A_404, %parallel_loop3A_405, %parallel_loop3A_406] {strides = array<i32>} : memref<2x2x4096xf32, #tpu.memory_space<vmem>>, vector<16xf32>,
        tpu.vector_store %arg11[%parallel_loop3A_404, %parallel_loop3A_405, %parallel_loop3A_406], %parallel_loop3A_391 {strides = array<i32>} : memref<2x2x4096xf32, #tpu.memory_space<vmem>>, vector<16xf32>,
      } {sc.loop_unroll_factor = 8 : i64, sc.parallel_access}
      %mul3A_202 = arith.constant 4096 : i32
      %mul3A_203 = arith.muli %add3A_149, %mul3A_202 : i32
      %dma_start3A_204 = arith.constant 0 : i32
      %dma_start3A_205 = arith.constant 0 : i32
      %dma_start3A_206 = arith.constant 0 : i32
      %dma_start3A_207 = tpu.memref_slice %arg11[%dma_start3A_204, %dma_start3A_205, %dma_start3A_206] : memref<2x2x4096xf32, #tpu.memory_space<vmem>> -> memref<1x2x4096xf32, #tpu.memory_space<vmem>>
      %dma_start3A_208 = tpu.memref_squeeze %dma_start3A_207 : memref<1x2x4096xf32, #tpu.memory_space<vmem>> -> memref<2x4096xf32, #tpu.memory_space<vmem>>
      %dma_start3A_209 = tpu.memref_slice %arg7[%mul3A_9, %mul3A_203] : memref<64x131072xf32, #tpu.memory_space<hbm>> -> memref<2x4096xf32, #tpu.memory_space<hbm>>
      %dma_start3A_210 = tpu.memref_slice %arg7[%mul3A_9, %mul3A_203] : memref<64x131072xf32, #tpu.memory_space<hbm>> -> memref<2x4096xf32, #tpu.memory_space<hbm>>
      %dma_start3A_211 = arith.constant 0 : i32
      %dma_start3A_212 = arith.constant 0 : i32
      %dma_start3A_213 = tpu.memref_slice %arg11[%dma_start3A_204, %dma_start3A_211, %dma_start3A_212] : memref<2x2x4096xf32, #tpu.memory_space<vmem>> -> memref<1x2x4096xf32, #tpu.memory_space<vmem>>
      %dma_start3A_214 = tpu.memref_squeeze %dma_start3A_213 : memref<1x2x4096xf32, #tpu.memory_space<vmem>> -> memref<2x4096xf32, #tpu.memory_space<vmem>>
      tpu.enqueue_dma source(%dma_start3A_214 : memref<2x4096xf32, #tpu.memory_space<vmem>>) target(%dma_start3A_210 : memref<2x4096xf32, #tpu.memory_space<hbm>>) target_semaphore(%arg14 : memref<!tpu.dma_semaphore, #tpu.memory_space<semaphore_mem>>)
      %lt3A = arith.constant 15 : i32
      %lt3A_215 = arith.cmpi slt, %scan3A_145, %lt3A : i32
      %convert_element_type3A_216 = arith.extui %lt3A_215 : i1 to i32
      %cond3A_217 = arith.constant 0 : i32
      %cond3A_218 = arith.cmpi ne, %convert_element_type3A_216, %cond3A_217 : i32
      scf.if %cond3A_218 {
        %add3A_297 = arith.constant 2 : i32
        %add3A_298 = arith.addi %add3A_149, %add3A_297 : i32
        %mul3A_299 = arith.constant 4096 : i32
        %mul3A_300 = arith.muli %add3A_298, %mul3A_299 : i32
        %dma_start3A_301 = arith.constant 0 : i32
        %dma_start3A_302 = arith.constant 0 : i32
        %dma_start3A_303 = arith.constant 0 : i32
        %dma_start3A_304 = tpu.memref_slice %arg9[%dma_start3A_301, %dma_start3A_302, %dma_start3A_303] : memref<2x2x4096xi32, #tpu.memory_space<vmem>> -> memref<1x1x4096xi32, #tpu.memory_space<vmem>>
        %dma_start3A_305 = tpu.memref_squeeze %dma_start3A_304 : memref<1x1x4096xi32, #tpu.memory_space<vmem>> -> memref<4096xi32, #tpu.memory_space<vmem>>
        %dma_start3A_306 = tpu.memref_slice %arg3[%mul3A_300] : memref<131072xi32, #tpu.memory_space<hbm>> -> memref<4096xi32, #tpu.memory_space<hbm>>
        %dma_start3A_307 = arith.constant 0 : i32
        %dma_start3A_308 = tpu.memref_slice %arg9[%dma_start3A_301, %dma_start3A_302, %dma_start3A_307] : memref<2x2x4096xi32, #tpu.memory_space<vmem>> -> memref<1x1x4096xi32, #tpu.memory_space<vmem>>
        %dma_start3A_309 = tpu.memref_squeeze %dma_start3A_308 : memref<1x1x4096xi32, #tpu.memory_space<vmem>> -> memref<4096xi32, #tpu.memory_space<vmem>>
        %dma_start3A_310 = tpu.memref_slice %arg3[%mul3A_300] : memref<131072xi32, #tpu.memory_space<hbm>> -> memref<4096xi32, #tpu.memory_space<hbm>>
        tpu.enqueue_dma source(%dma_start3A_310 : memref<4096xi32, #tpu.memory_space<hbm>>) target(%dma_start3A_309 : memref<4096xi32, #tpu.memory_space<vmem>>) target_semaphore(%arg12 : memref<!tpu.dma_semaphore, #tpu.memory_space<semaphore_mem>>)
        %dma_start3A_311 = arith.constant 0 : i32
        %dma_start3A_312 = arith.constant 1 : i32
        %dma_start3A_313 = arith.constant 0 : i32
        %dma_start3A_314 = tpu.memref_slice %arg9[%dma_start3A_311, %dma_start3A_312, %dma_start3A_313] : memref<2x2x4096xi32, #tpu.memory_space<vmem>> -> memref<1x1x4096xi32, #tpu.memory_space<vmem>>
        %dma_start3A_315 = tpu.memref_squeeze %dma_start3A_314 : memref<1x1x4096xi32, #tpu.memory_space<vmem>> -> memref<4096xi32, #tpu.memory_space<vmem>>
        %dma_start3A_316 = tpu.memref_slice %arg4[%mul3A_300] : memref<131072xi32, #tpu.memory_space<hbm>> -> memref<4096xi32, #tpu.memory_space<hbm>>
        %dma_start3A_317 = arith.constant 0 : i32
        %dma_start3A_318 = tpu.memref_slice %arg9[%dma_start3A_311, %dma_start3A_312, %dma_start3A_317] : memref<2x2x4096xi32, #tpu.memory_space<vmem>> -> memref<1x1x4096xi32, #tpu.memory_space<vmem>>
        %dma_start3A_319 = tpu.memref_squeeze %dma_start3A_318 : memref<1x1x4096xi32, #tpu.memory_space<vmem>> -> memref<4096xi32, #tpu.memory_space<vmem>>
        %dma_start3A_320 = tpu.memref_slice %arg4[%mul3A_300] : memref<131072xi32, #tpu.memory_space<hbm>> -> memref<4096xi32, #tpu.memory_space<hbm>>
        tpu.enqueue_dma source(%dma_start3A_320 : memref<4096xi32, #tpu.memory_space<hbm>>) target(%dma_start3A_319 : memref<4096xi32, #tpu.memory_space<vmem>>) target_semaphore(%arg12 : memref<!tpu.dma_semaphore, #tpu.memory_space<semaphore_mem>>)
        %dma_start3A_321 = arith.constant 0 : i32
        %dma_start3A_322 = arith.constant 0 : i32
        %dma_start3A_323 = arith.constant 0 : i32
        %dma_start3A_324 = tpu.memref_slice %arg10[%dma_start3A_321, %dma_start3A_322, %dma_start3A_323] : memref<2x2x4096xi32, #tpu.memory_space<vmem>> -> memref<1x1x4096xi32, #tpu.memory_space<vmem>>
        %dma_start3A_325 = tpu.memref_squeeze %dma_start3A_324 : memref<1x1x4096xi32, #tpu.memory_space<vmem>> -> memref<4096xi32, #tpu.memory_space<vmem>>
        %dma_start3A_326 = tpu.memref_slice %arg5[%mul3A_300] : memref<131072xi32, #tpu.memory_space<hbm>> -> memref<4096xi32, #tpu.memory_space<hbm>>
        %dma_start3A_327 = arith.constant 0 : i32
        %dma_start3A_328 = tpu.memref_slice %arg10[%dma_start3A_321, %dma_start3A_322, %dma_start3A_327] : memref<2x2x4096xi32, #tpu.memory_space<vmem>> -> memref<1x1x4096xi32, #tpu.memory_space<vmem>>
        %dma_start3A_329 = tpu.memref_squeeze %dma_start3A_328 : memref<1x1x4096xi32, #tpu.memory_space<vmem>> -> memref<4096xi32, #tpu.memory_space<vmem>>
        %dma_start3A_330 = tpu.memref_slice %arg5[%mul3A_300] : memref<131072xi32, #tpu.memory_space<hbm>> -> memref<4096xi32, #tpu.memory_space<hbm>>
        tpu.enqueue_dma source(%dma_start3A_330 : memref<4096xi32, #tpu.memory_space<hbm>>) target(%dma_start3A_329 : memref<4096xi32, #tpu.memory_space<vmem>>) target_semaphore(%arg12 : memref<!tpu.dma_semaphore, #tpu.memory_space<semaphore_mem>>)
        %dma_start3A_331 = arith.constant 0 : i32
        %dma_start3A_332 = arith.constant 1 : i32
        %dma_start3A_333 = arith.constant 0 : i32
        %dma_start3A_334 = tpu.memref_slice %arg10[%dma_start3A_331, %dma_start3A_332, %dma_start3A_333] : memref<2x2x4096xi32, #tpu.memory_space<vmem>> -> memref<1x1x4096xi32, #tpu.memory_space<vmem>>
        %dma_start3A_335 = tpu.memref_squeeze %dma_start3A_334 : memref<1x1x4096xi32, #tpu.memory_space<vmem>> -> memref<4096xi32, #tpu.memory_space<vmem>>
        %dma_start3A_336 = tpu.memref_slice %arg6[%mul3A_300] : memref<131072xi32, #tpu.memory_space<hbm>> -> memref<4096xi32, #tpu.memory_space<hbm>>
        %dma_start3A_337 = arith.constant 0 : i32
        %dma_start3A_338 = tpu.memref_slice %arg10[%dma_start3A_331, %dma_start3A_332, %dma_start3A_337] : memref<2x2x4096xi32, #tpu.memory_space<vmem>> -> memref<1x1x4096xi32, #tpu.memory_space<vmem>>
        %dma_start3A_339 = tpu.memref_squeeze %dma_start3A_338 : memref<1x1x4096xi32, #tpu.memory_space<vmem>> -> memref<4096xi32, #tpu.memory_space<vmem>>
        %dma_start3A_340 = tpu.memref_slice %arg6[%mul3A_300] : memref<131072xi32, #tpu.memory_space<hbm>> -> memref<4096xi32, #tpu.memory_space<hbm>>
        tpu.enqueue_dma source(%dma_start3A_340 : memref<4096xi32, #tpu.memory_space<hbm>>) target(%dma_start3A_339 : memref<4096xi32, #tpu.memory_space<vmem>>) target_semaphore(%arg12 : memref<!tpu.dma_semaphore, #tpu.memory_space<semaphore_mem>>)
      } else {
      }
      %mul3A_219 = arith.constant 2 : i32
      %mul3A_220 = arith.muli %mul3A_219, %scan3A_145 : i32
      %add3A_221 = arith.constant 1 : i32
      %add3A_222 = arith.addi %mul3A_220, %add3A_221 : i32
      %dma_wait3A_223 = arith.constant 1 : i32
      %dma_wait3A_224 = arith.constant 0 : i32
      %dma_wait3A_225 = arith.constant 0 : i32
      %dma_wait3A_226 = tpu.memref_slice %arg9[%dma_wait3A_223, %dma_wait3A_224, %dma_wait3A_225] : memref<2x2x4096xi32, #tpu.memory_space<vmem>> -> memref<1x1x4096xi32, #tpu.memory_space<vmem>>
      %dma_wait3A_227 = tpu.memref_squeeze %dma_wait3A_226 : memref<1x1x4096xi32, #tpu.memory_space<vmem>> -> memref<4096xi32, #tpu.memory_space<vmem>>
      %dma_wait3A_228 = arith.constant 0 : i32
      %dma_wait3A_229 = tpu.memref_slice %arg3[%dma_wait3A_228] : memref<131072xi32, #tpu.memory_space<hbm>> -> memref<4096xi32, #tpu.memory_space<hbm>>
      %dma_wait3A_230 = arith.constant 0 : i32
      %dma_wait3A_231 = tpu.memref_slice %arg9[%dma_wait3A_223, %dma_wait3A_224, %dma_wait3A_230] : memref<2x2x4096xi32, #tpu.memory_space<vmem>> -> memref<1x1x4096xi32, #tpu.memory_space<vmem>>
      %dma_wait3A_232 = tpu.memref_squeeze %dma_wait3A_231 : memref<1x1x4096xi32, #tpu.memory_space<vmem>> -> memref<4096xi32, #tpu.memory_space<vmem>>
      %dma_wait3A_233 = arith.constant 0 : i32
      %dma_wait3A_234 = tpu.memref_slice %arg3[%dma_wait3A_233] : memref<131072xi32, #tpu.memory_space<hbm>> -> memref<4096xi32, #tpu.memory_space<hbm>>
      tpu.wait_dma2 semaphore(%arg13 : memref<!tpu.dma_semaphore, #tpu.memory_space<semaphore_mem>>) src(%dma_wait3A_234 : memref<4096xi32, #tpu.memory_space<hbm>>) dst(%dma_wait3A_232 : memref<4096xi32, #tpu.memory_space<vmem>>)
      %dma_wait3A_235 = arith.constant 1 : i32
      %dma_wait3A_236 = arith.constant 1 : i32
      %dma_wait3A_237 = arith.constant 0 : i32
      %dma_wait3A_238 = tpu.memref_slice %arg9[%dma_wait3A_235, %dma_wait3A_236, %dma_wait3A_237] : memref<2x2x4096xi32, #tpu.memory_space<vmem>> -> memref<1x1x4096xi32, #tpu.memory_space<vmem>>
      %dma_wait3A_239 = tpu.memref_squeeze %dma_wait3A_238 : memref<1x1x4096xi32, #tpu.memory_space<vmem>> -> memref<4096xi32, #tpu.memory_space<vmem>>
      %dma_wait3A_240 = arith.constant 0 : i32
      %dma_wait3A_241 = tpu.memref_slice %arg4[%dma_wait3A_240] : memref<131072xi32, #tpu.memory_space<hbm>> -> memref<4096xi32, #tpu.memory_space<hbm>>
      %dma_wait3A_242 = arith.constant 0 : i32
      %dma_wait3A_243 = tpu.memref_slice %arg9[%dma_wait3A_235, %dma_wait3A_236, %dma_wait3A_242] : memref<2x2x4096xi32, #tpu.memory_space<vmem>> -> memref<1x1x4096xi32, #tpu.memory_space<vmem>>
      %dma_wait3A_244 = tpu.memref_squeeze %dma_wait3A_243 : memref<1x1x4096xi32, #tpu.memory_space<vmem>> -> memref<4096xi32, #tpu.memory_space<vmem>>
      %dma_wait3A_245 = arith.constant 0 : i32
      %dma_wait3A_246 = tpu.memref_slice %arg4[%dma_wait3A_245] : memref<131072xi32, #tpu.memory_space<hbm>> -> memref<4096xi32, #tpu.memory_space<hbm>>
      tpu.wait_dma2 semaphore(%arg13 : memref<!tpu.dma_semaphore, #tpu.memory_space<semaphore_mem>>) src(%dma_wait3A_246 : memref<4096xi32, #tpu.memory_space<hbm>>) dst(%dma_wait3A_244 : memref<4096xi32, #tpu.memory_space<vmem>>)
      %dma_wait3A_247 = arith.constant 1 : i32
      %dma_wait3A_248 = arith.constant 0 : i32
      %dma_wait3A_249 = arith.constant 0 : i32
      %dma_wait3A_250 = tpu.memref_slice %arg10[%dma_wait3A_247, %dma_wait3A_248, %dma_wait3A_249] : memref<2x2x4096xi32, #tpu.memory_space<vmem>> -> memref<1x1x4096xi32, #tpu.memory_space<vmem>>
      %dma_wait3A_251 = tpu.memref_squeeze %dma_wait3A_250 : memref<1x1x4096xi32, #tpu.memory_space<vmem>> -> memref<4096xi32, #tpu.memory_space<vmem>>
      %dma_wait3A_252 = arith.constant 0 : i32
      %dma_wait3A_253 = tpu.memref_slice %arg5[%dma_wait3A_252] : memref<131072xi32, #tpu.memory_space<hbm>> -> memref<4096xi32, #tpu.memory_space<hbm>>
      %dma_wait3A_254 = arith.constant 0 : i32
      %dma_wait3A_255 = tpu.memref_slice %arg10[%dma_wait3A_247, %dma_wait3A_248, %dma_wait3A_254] : memref<2x2x4096xi32, #tpu.memory_space<vmem>> -> memref<1x1x4096xi32, #tpu.memory_space<vmem>>
      %dma_wait3A_256 = tpu.memref_squeeze %dma_wait3A_255 : memref<1x1x4096xi32, #tpu.memory_space<vmem>> -> memref<4096xi32, #tpu.memory_space<vmem>>
      %dma_wait3A_257 = arith.constant 0 : i32
      %dma_wait3A_258 = tpu.memref_slice %arg5[%dma_wait3A_257] : memref<131072xi32, #tpu.memory_space<hbm>> -> memref<4096xi32, #tpu.memory_space<hbm>>
      tpu.wait_dma2 semaphore(%arg13 : memref<!tpu.dma_semaphore, #tpu.memory_space<semaphore_mem>>) src(%dma_wait3A_258 : memref<4096xi32, #tpu.memory_space<hbm>>) dst(%dma_wait3A_256 : memref<4096xi32, #tpu.memory_space<vmem>>)
      %dma_wait3A_259 = arith.constant 1 : i32
      %dma_wait3A_260 = arith.constant 1 : i32
      %dma_wait3A_261 = arith.constant 0 : i32
      %dma_wait3A_262 = tpu.memref_slice %arg10[%dma_wait3A_259, %dma_wait3A_260, %dma_wait3A_261] : memref<2x2x4096xi32, #tpu.memory_space<vmem>> -> memref<1x1x4096xi32, #tpu.memory_space<vmem>>
      %dma_wait3A_263 = tpu.memref_squeeze %dma_wait3A_262 : memref<1x1x4096xi32, #tpu.memory_space<vmem>> -> memref<4096xi32, #tpu.memory_space<vmem>>
      %dma_wait3A_264 = arith.constant 0 : i32
      %dma_wait3A_265 = tpu.memref_slice %arg6[%dma_wait3A_264] : memref<131072xi32, #tpu.memory_space<hbm>> -> memref<4096xi32, #tpu.memory_space<hbm>>
      %dma_wait3A_266 = arith.constant 0 : i32
      %dma_wait3A_267 = tpu.memref_slice %arg10[%dma_wait3A_259, %dma_wait3A_260, %dma_wait3A_266] : memref<2x2x4096xi32, #tpu.memory_space<vmem>> -> memref<1x1x4096xi32, #tpu.memory_space<vmem>>
      %dma_wait3A_268 = tpu.memref_squeeze %dma_wait3A_267 : memref<1x1x4096xi32, #tpu.memory_space<vmem>> -> memref<4096xi32, #tpu.memory_space<vmem>>
      %dma_wait3A_269 = arith.constant 0 : i32
      %dma_wait3A_270 = tpu.memref_slice %arg6[%dma_wait3A_269] : memref<131072xi32, #tpu.memory_space<hbm>> -> memref<4096xi32, #tpu.memory_space<hbm>>
      tpu.wait_dma2 semaphore(%arg13 : memref<!tpu.dma_semaphore, #tpu.memory_space<semaphore_mem>>) src(%dma_wait3A_270 : memref<4096xi32, #tpu.memory_space<hbm>>) dst(%dma_wait3A_268 : memref<4096xi32, #tpu.memory_space<vmem>>)
      %ge3A_271 = arith.constant 1 : i32
      %ge3A_272 = arith.cmpi sge, %scan3A_145, %ge3A_271 : i32
      %convert_element_type3A_273 = arith.extui %ge3A_272 : i1 to i32
      %cond3A_274 = arith.constant 0 : i32
      %cond3A_275 = arith.cmpi ne, %convert_element_type3A_273, %cond3A_274 : i32
      scf.if %cond3A_275 {
        %dma_wait3A_297 = arith.constant 1 : i32
        %dma_wait3A_298 = arith.constant 0 : i32
        %dma_wait3A_299 = arith.constant 0 : i32
        %dma_wait3A_300 = tpu.memref_slice %arg11[%dma_wait3A_297, %dma_wait3A_298, %dma_wait3A_299] : memref<2x2x4096xf32, #tpu.memory_space<vmem>> -> memref<1x2x4096xf32, #tpu.memory_space<vmem>>
        %dma_wait3A_301 = tpu.memref_squeeze %dma_wait3A_300 : memref<1x2x4096xf32, #tpu.memory_space<vmem>> -> memref<2x4096xf32, #tpu.memory_space<vmem>>
        %dma_wait3A_302 = arith.constant 0 : i32
        %dma_wait3A_303 = arith.constant 0 : i32
        %dma_wait3A_304 = tpu.memref_slice %arg7[%dma_wait3A_302, %dma_wait3A_303] : memref<64x131072xf32, #tpu.memory_space<hbm>> -> memref<2x4096xf32, #tpu.memory_space<hbm>>
        %dma_wait3A_305 = arith.constant 0 : i32
        %dma_wait3A_306 = arith.constant 0 : i32
        %dma_wait3A_307 = tpu.memref_slice %arg7[%dma_wait3A_305, %dma_wait3A_306] : memref<64x131072xf32, #tpu.memory_space<hbm>> -> memref<2x4096xf32, #tpu.memory_space<hbm>>
        %dma_wait3A_308 = arith.constant 0 : i32
        %dma_wait3A_309 = arith.constant 0 : i32
        %dma_wait3A_310 = tpu.memref_slice %arg11[%dma_wait3A_297, %dma_wait3A_308, %dma_wait3A_309] : memref<2x2x4096xf32, #tpu.memory_space<vmem>> -> memref<1x2x4096xf32, #tpu.memory_space<vmem>>
        %dma_wait3A_311 = tpu.memref_squeeze %dma_wait3A_310 : memref<1x2x4096xf32, #tpu.memory_space<vmem>> -> memref<2x4096xf32, #tpu.memory_space<vmem>>
        tpu.wait_dma2 semaphore(%arg15 : memref<!tpu.dma_semaphore, #tpu.memory_space<semaphore_mem>>) src(%dma_wait3A_311 : memref<2x4096xf32, #tpu.memory_space<vmem>>) dst(%dma_wait3A_307 : memref<2x4096xf32, #tpu.memory_space<hbm>>)
      } else {
      }
      %parallel_loop3A_276 = arith.constant 0 : i32
      %parallel_loop3A_277 = arith.constant 256 : i32
      %parallel_loop3A_278 = arith.constant 1 : i32
      scf.for %parallel_loop3A_297 = %parallel_loop3A_276 to %parallel_loop3A_277 step %parallel_loop3A_278  : i32 {
        %parallel_loop3A_298 = arith.constant 16 : i32
        %parallel_loop3A_299 = arith.muli %parallel_loop3A_297, %parallel_loop3A_298 : i32
        %parallel_loop3A_300 = arith.constant 1 : i32
        %parallel_loop3A_301 = arith.constant 0 : i32
        %parallel_loop3A_302 = arith.index_cast %parallel_loop3A_300 : i32 to index
        %parallel_loop3A_303 = arith.index_cast %parallel_loop3A_301 : i32 to index
        %parallel_loop3A_304 = arith.index_cast %parallel_loop3A_299 : i32 to index
        %parallel_loop3A_305 = tpu.vector_load %arg9[%parallel_loop3A_302, %parallel_loop3A_303, %parallel_loop3A_304] {strides = array<i32>} : memref<2x2x4096xi32, #tpu.memory_space<vmem>>, vector<16xi32>,
        %parallel_loop3A_306 = arith.constant 16 : i32
        %parallel_loop3A_307 = arith.muli %parallel_loop3A_297, %parallel_loop3A_306 : i32
        %parallel_loop3A_308 = arith.constant 1 : i32
        %parallel_loop3A_309 = arith.constant 1 : i32
        %parallel_loop3A_310 = arith.index_cast %parallel_loop3A_308 : i32 to index
        %parallel_loop3A_311 = arith.index_cast %parallel_loop3A_309 : i32 to index
        %parallel_loop3A_312 = arith.index_cast %parallel_loop3A_307 : i32 to index
        %parallel_loop3A_313 = tpu.vector_load %arg9[%parallel_loop3A_310, %parallel_loop3A_311, %parallel_loop3A_312] {strides = array<i32>} : memref<2x2x4096xi32, #tpu.memory_space<vmem>>, vector<16xi32>,
        %parallel_loop3A_314 = arith.constant 16 : i32
        %parallel_loop3A_315 = arith.muli %parallel_loop3A_297, %parallel_loop3A_314 : i32
        %parallel_loop3A_316 = arith.constant 1 : i32
        %parallel_loop3A_317 = arith.constant 0 : i32
        %parallel_loop3A_318 = arith.index_cast %parallel_loop3A_316 : i32 to index
        %parallel_loop3A_319 = arith.index_cast %parallel_loop3A_317 : i32 to index
        %parallel_loop3A_320 = arith.index_cast %parallel_loop3A_315 : i32 to index
        %parallel_loop3A_321 = tpu.vector_load %arg10[%parallel_loop3A_318, %parallel_loop3A_319, %parallel_loop3A_320] {strides = array<i32>} : memref<2x2x4096xi32, #tpu.memory_space<vmem>>, vector<16xi32>,
        %parallel_loop3A_322 = arith.constant 16 : i32
        %parallel_loop3A_323 = arith.muli %parallel_loop3A_297, %parallel_loop3A_322 : i32
        %parallel_loop3A_324 = arith.constant 1 : i32
        %parallel_loop3A_325 = arith.constant 1 : i32
        %parallel_loop3A_326 = arith.index_cast %parallel_loop3A_324 : i32 to index
        %parallel_loop3A_327 = arith.index_cast %parallel_loop3A_325 : i32 to index
        %parallel_loop3A_328 = arith.index_cast %parallel_loop3A_323 : i32 to index
        %parallel_loop3A_329 = tpu.vector_load %arg10[%parallel_loop3A_326, %parallel_loop3A_327, %parallel_loop3A_328] {strides = array<i32>} : memref<2x2x4096xi32, #tpu.memory_space<vmem>>, vector<16xi32>,
        %parallel_loop3A_330 = arith.andi %parallel_loop3A_305, %broadcast_in_dim3A_1 : vector<16xi32>
        %parallel_loop3A_331 = arith.constant 16 : i32
        %parallel_loop3A_332 = vector.broadcast %parallel_loop3A_331 : i32 to vector<16xi32>
        %parallel_loop3A_333 = arith.shrui %parallel_loop3A_305, %parallel_loop3A_332 : vector<16xi32>
        %parallel_loop3A_334 = arith.andi %parallel_loop3A_313, %broadcast_in_dim3A_1 : vector<16xi32>
        %parallel_loop3A_335 = arith.constant 16 : i32
        %parallel_loop3A_336 = vector.broadcast %parallel_loop3A_335 : i32 to vector<16xi32>
        %parallel_loop3A_337 = arith.shrui %parallel_loop3A_313, %parallel_loop3A_336 : vector<16xi32>
        %parallel_loop3A_338 = arith.constant 16 : i32
        %parallel_loop3A_339 = vector.broadcast %parallel_loop3A_338 : i32 to vector<16xi32>
        %parallel_loop3A_340 = arith.shli %parallel_loop3A_321, %parallel_loop3A_339 : vector<16xi32>
        %parallel_loop3A_341 = vector.bitcast %parallel_loop3A_340 : vector<16xi32> to vector<16xf32>
        %parallel_loop3A_342 = arith.andi %parallel_loop3A_321, %broadcast_in_dim3A_3 : vector<16xi32>
        %parallel_loop3A_343 = vector.bitcast %parallel_loop3A_342 : vector<16xi32> to vector<16xf32>
        %parallel_loop3A_344 = arith.constant 16 : i32
        %parallel_loop3A_345 = vector.broadcast %parallel_loop3A_344 : i32 to vector<16xi32>
        %parallel_loop3A_346 = arith.shli %parallel_loop3A_329, %parallel_loop3A_345 : vector<16xi32>
        %parallel_loop3A_347 = vector.bitcast %parallel_loop3A_346 : vector<16xi32> to vector<16xf32>
        %parallel_loop3A_348 = arith.andi %parallel_loop3A_329, %broadcast_in_dim3A_3 : vector<16xi32>
        %parallel_loop3A_349 = vector.bitcast %parallel_loop3A_348 : vector<16xi32> to vector<16xf32>
        %parallel_loop3A_350 = tpu.vector_load_idx %arg8[%parallel_loop3A_330] : memref<65536xi32, #tpu.memory_space<vmem>>[vector<16xi32>], vector<16xi32>,
        %parallel_loop3A_351 = tpu.vector_load_idx %arg8[%parallel_loop3A_333] : memref<65536xi32, #tpu.memory_space<vmem>>[vector<16xi32>], vector<16xi32>,
        %parallel_loop3A_352 = tpu.vector_load_idx %arg8[%parallel_loop3A_334] : memref<65536xi32, #tpu.memory_space<vmem>>[vector<16xi32>], vector<16xi32>,
        %parallel_loop3A_353 = tpu.vector_load_idx %arg8[%parallel_loop3A_337] : memref<65536xi32, #tpu.memory_space<vmem>>[vector<16xi32>], vector<16xi32>,
        %parallel_loop3A_354 = arith.constant 16 : i32
        %parallel_loop3A_355 = vector.broadcast %parallel_loop3A_354 : i32 to vector<16xi32>
        %parallel_loop3A_356 = arith.shli %parallel_loop3A_350, %parallel_loop3A_355 : vector<16xi32>
        %parallel_loop3A_357 = vector.bitcast %parallel_loop3A_356 : vector<16xi32> to vector<16xf32>
        %parallel_loop3A_358 = arith.mulf %parallel_loop3A_341, %parallel_loop3A_357 : vector<16xf32>
        %parallel_loop3A_359 = arith.andi %parallel_loop3A_350, %broadcast_in_dim3A_3 : vector<16xi32>
        %parallel_loop3A_360 = vector.bitcast %parallel_loop3A_359 : vector<16xi32> to vector<16xf32>
        %parallel_loop3A_361 = arith.mulf %parallel_loop3A_341, %parallel_loop3A_360 : vector<16xf32>
        %parallel_loop3A_362 = arith.constant 16 : i32
        %parallel_loop3A_363 = vector.broadcast %parallel_loop3A_362 : i32 to vector<16xi32>
        %parallel_loop3A_364 = arith.shli %parallel_loop3A_351, %parallel_loop3A_363 : vector<16xi32>
        %parallel_loop3A_365 = vector.bitcast %parallel_loop3A_364 : vector<16xi32> to vector<16xf32>
        %parallel_loop3A_366 = arith.mulf %parallel_loop3A_343, %parallel_loop3A_365 : vector<16xf32>
        %parallel_loop3A_367 = arith.addf %parallel_loop3A_358, %parallel_loop3A_366 : vector<16xf32>
        %parallel_loop3A_368 = arith.andi %parallel_loop3A_351, %broadcast_in_dim3A_3 : vector<16xi32>
        %parallel_loop3A_369 = vector.bitcast %parallel_loop3A_368 : vector<16xi32> to vector<16xf32>
        %parallel_loop3A_370 = arith.mulf %parallel_loop3A_343, %parallel_loop3A_369 : vector<16xf32>
        %parallel_loop3A_371 = arith.addf %parallel_loop3A_361, %parallel_loop3A_370 : vector<16xf32>
        %parallel_loop3A_372 = arith.constant 16 : i32
        %parallel_loop3A_373 = vector.broadcast %parallel_loop3A_372 : i32 to vector<16xi32>
        %parallel_loop3A_374 = arith.shli %parallel_loop3A_352, %parallel_loop3A_373 : vector<16xi32>
        %parallel_loop3A_375 = vector.bitcast %parallel_loop3A_374 : vector<16xi32> to vector<16xf32>
        %parallel_loop3A_376 = arith.mulf %parallel_loop3A_347, %parallel_loop3A_375 : vector<16xf32>
        %parallel_loop3A_377 = arith.addf %parallel_loop3A_367, %parallel_loop3A_376 : vector<16xf32>
        %parallel_loop3A_378 = arith.andi %parallel_loop3A_352, %broadcast_in_dim3A_3 : vector<16xi32>
        %parallel_loop3A_379 = vector.bitcast %parallel_loop3A_378 : vector<16xi32> to vector<16xf32>
        %parallel_loop3A_380 = arith.mulf %parallel_loop3A_347, %parallel_loop3A_379 : vector<16xf32>
        %parallel_loop3A_381 = arith.addf %parallel_loop3A_371, %parallel_loop3A_380 : vector<16xf32>
        %parallel_loop3A_382 = arith.constant 16 : i32
        %parallel_loop3A_383 = vector.broadcast %parallel_loop3A_382 : i32 to vector<16xi32>
        %parallel_loop3A_384 = arith.shli %parallel_loop3A_353, %parallel_loop3A_383 : vector<16xi32>
        %parallel_loop3A_385 = vector.bitcast %parallel_loop3A_384 : vector<16xi32> to vector<16xf32>
        %parallel_loop3A_386 = arith.mulf %parallel_loop3A_349, %parallel_loop3A_385 : vector<16xf32>
        %parallel_loop3A_387 = arith.addf %parallel_loop3A_377, %parallel_loop3A_386 : vector<16xf32>
        %parallel_loop3A_388 = arith.andi %parallel_loop3A_353, %broadcast_in_dim3A_3 : vector<16xi32>
        %parallel_loop3A_389 = vector.bitcast %parallel_loop3A_388 : vector<16xi32> to vector<16xf32>
        %parallel_loop3A_390 = arith.mulf %parallel_loop3A_349, %parallel_loop3A_389 : vector<16xf32>
        %parallel_loop3A_391 = arith.addf %parallel_loop3A_381, %parallel_loop3A_390 : vector<16xf32>
        %parallel_loop3A_392 = arith.constant 16 : i32
        %parallel_loop3A_393 = arith.muli %parallel_loop3A_297, %parallel_loop3A_392 : i32
        %parallel_loop3A_394 = arith.constant 1 : i32
        %parallel_loop3A_395 = arith.constant 0 : i32
        %parallel_loop3A_396 = arith.index_cast %parallel_loop3A_394 : i32 to index
        %parallel_loop3A_397 = arith.index_cast %parallel_loop3A_395 : i32 to index
        %parallel_loop3A_398 = arith.index_cast %parallel_loop3A_393 : i32 to index
        %parallel_loop3A_399 = tpu.vector_load %arg11[%parallel_loop3A_396, %parallel_loop3A_397, %parallel_loop3A_398] {strides = array<i32>} : memref<2x2x4096xf32, #tpu.memory_space<vmem>>, vector<16xf32>,
        tpu.vector_store %arg11[%parallel_loop3A_396, %parallel_loop3A_397, %parallel_loop3A_398], %parallel_loop3A_387 {strides = array<i32>} : memref<2x2x4096xf32, #tpu.memory_space<vmem>>, vector<16xf32>,
        %parallel_loop3A_400 = arith.constant 16 : i32
        %parallel_loop3A_401 = arith.muli %parallel_loop3A_297, %parallel_loop3A_400 : i32
        %parallel_loop3A_402 = arith.constant 1 : i32
        %parallel_loop3A_403 = arith.constant 1 : i32
        %parallel_loop3A_404 = arith.index_cast %parallel_loop3A_402 : i32 to index
        %parallel_loop3A_405 = arith.index_cast %parallel_loop3A_403 : i32 to index
        %parallel_loop3A_406 = arith.index_cast %parallel_loop3A_401 : i32 to index
        %parallel_loop3A_407 = tpu.vector_load %arg11[%parallel_loop3A_404, %parallel_loop3A_405, %parallel_loop3A_406] {strides = array<i32>} : memref<2x2x4096xf32, #tpu.memory_space<vmem>>, vector<16xf32>,
        tpu.vector_store %arg11[%parallel_loop3A_404, %parallel_loop3A_405, %parallel_loop3A_406], %parallel_loop3A_391 {strides = array<i32>} : memref<2x2x4096xf32, #tpu.memory_space<vmem>>, vector<16xf32>,
      } {sc.loop_unroll_factor = 8 : i64, sc.parallel_access}
      %mul3A_279 = arith.constant 4096 : i32
      %mul3A_280 = arith.muli %add3A_222, %mul3A_279 : i32
      %dma_start3A_281 = arith.constant 1 : i32
      %dma_start3A_282 = arith.constant 0 : i32
      %dma_start3A_283 = arith.constant 0 : i32
      %dma_start3A_284 = tpu.memref_slice %arg11[%dma_start3A_281, %dma_start3A_282, %dma_start3A_283] : memref<2x2x4096xf32, #tpu.memory_space<vmem>> -> memref<1x2x4096xf32, #tpu.memory_space<vmem>>
      %dma_start3A_285 = tpu.memref_squeeze %dma_start3A_284 : memref<1x2x4096xf32, #tpu.memory_space<vmem>> -> memref<2x4096xf32, #tpu.memory_space<vmem>>
      %dma_start3A_286 = tpu.memref_slice %arg7[%mul3A_9, %mul3A_280] : memref<64x131072xf32, #tpu.memory_space<hbm>> -> memref<2x4096xf32, #tpu.memory_space<hbm>>
      %dma_start3A_287 = tpu.memref_slice %arg7[%mul3A_9, %mul3A_280] : memref<64x131072xf32, #tpu.memory_space<hbm>> -> memref<2x4096xf32, #tpu.memory_space<hbm>>
      %dma_start3A_288 = arith.constant 0 : i32
      %dma_start3A_289 = arith.constant 0 : i32
      %dma_start3A_290 = tpu.memref_slice %arg11[%dma_start3A_281, %dma_start3A_288, %dma_start3A_289] : memref<2x2x4096xf32, #tpu.memory_space<vmem>> -> memref<1x2x4096xf32, #tpu.memory_space<vmem>>
      %dma_start3A_291 = tpu.memref_squeeze %dma_start3A_290 : memref<1x2x4096xf32, #tpu.memory_space<vmem>> -> memref<2x4096xf32, #tpu.memory_space<vmem>>
      tpu.enqueue_dma source(%dma_start3A_291 : memref<2x4096xf32, #tpu.memory_space<vmem>>) target(%dma_start3A_287 : memref<2x4096xf32, #tpu.memory_space<hbm>>) target_semaphore(%arg15 : memref<!tpu.dma_semaphore, #tpu.memory_space<semaphore_mem>>)
      %lt3A_292 = arith.constant 15 : i32
      %lt3A_293 = arith.cmpi slt, %scan3A_145, %lt3A_292 : i32
      %convert_element_type3A_294 = arith.extui %lt3A_293 : i1 to i32
      %cond3A_295 = arith.constant 0 : i32
      %cond3A_296 = arith.cmpi ne, %convert_element_type3A_294, %cond3A_295 : i32
      scf.if %cond3A_296 {
        %add3A_297 = arith.constant 2 : i32
        %add3A_298 = arith.addi %add3A_222, %add3A_297 : i32
        %mul3A_299 = arith.constant 4096 : i32
        %mul3A_300 = arith.muli %add3A_298, %mul3A_299 : i32
        %dma_start3A_301 = arith.constant 1 : i32
        %dma_start3A_302 = arith.constant 0 : i32
        %dma_start3A_303 = arith.constant 0 : i32
        %dma_start3A_304 = tpu.memref_slice %arg9[%dma_start3A_301, %dma_start3A_302, %dma_start3A_303] : memref<2x2x4096xi32, #tpu.memory_space<vmem>> -> memref<1x1x4096xi32, #tpu.memory_space<vmem>>
        %dma_start3A_305 = tpu.memref_squeeze %dma_start3A_304 : memref<1x1x4096xi32, #tpu.memory_space<vmem>> -> memref<4096xi32, #tpu.memory_space<vmem>>
        %dma_start3A_306 = tpu.memref_slice %arg3[%mul3A_300] : memref<131072xi32, #tpu.memory_space<hbm>> -> memref<4096xi32, #tpu.memory_space<hbm>>
        %dma_start3A_307 = arith.constant 0 : i32
        %dma_start3A_308 = tpu.memref_slice %arg9[%dma_start3A_301, %dma_start3A_302, %dma_start3A_307] : memref<2x2x4096xi32, #tpu.memory_space<vmem>> -> memref<1x1x4096xi32, #tpu.memory_space<vmem>>
        %dma_start3A_309 = tpu.memref_squeeze %dma_start3A_308 : memref<1x1x4096xi32, #tpu.memory_space<vmem>> -> memref<4096xi32, #tpu.memory_space<vmem>>
        %dma_start3A_310 = tpu.memref_slice %arg3[%mul3A_300] : memref<131072xi32, #tpu.memory_space<hbm>> -> memref<4096xi32, #tpu.memory_space<hbm>>
        tpu.enqueue_dma source(%dma_start3A_310 : memref<4096xi32, #tpu.memory_space<hbm>>) target(%dma_start3A_309 : memref<4096xi32, #tpu.memory_space<vmem>>) target_semaphore(%arg13 : memref<!tpu.dma_semaphore, #tpu.memory_space<semaphore_mem>>)
        %dma_start3A_311 = arith.constant 1 : i32
        %dma_start3A_312 = arith.constant 1 : i32
        %dma_start3A_313 = arith.constant 0 : i32
        %dma_start3A_314 = tpu.memref_slice %arg9[%dma_start3A_311, %dma_start3A_312, %dma_start3A_313] : memref<2x2x4096xi32, #tpu.memory_space<vmem>> -> memref<1x1x4096xi32, #tpu.memory_space<vmem>>
        %dma_start3A_315 = tpu.memref_squeeze %dma_start3A_314 : memref<1x1x4096xi32, #tpu.memory_space<vmem>> -> memref<4096xi32, #tpu.memory_space<vmem>>
        %dma_start3A_316 = tpu.memref_slice %arg4[%mul3A_300] : memref<131072xi32, #tpu.memory_space<hbm>> -> memref<4096xi32, #tpu.memory_space<hbm>>
        %dma_start3A_317 = arith.constant 0 : i32
        %dma_start3A_318 = tpu.memref_slice %arg9[%dma_start3A_311, %dma_start3A_312, %dma_start3A_317] : memref<2x2x4096xi32, #tpu.memory_space<vmem>> -> memref<1x1x4096xi32, #tpu.memory_space<vmem>>
        %dma_start3A_319 = tpu.memref_squeeze %dma_start3A_318 : memref<1x1x4096xi32, #tpu.memory_space<vmem>> -> memref<4096xi32, #tpu.memory_space<vmem>>
        %dma_start3A_320 = tpu.memref_slice %arg4[%mul3A_300] : memref<131072xi32, #tpu.memory_space<hbm>> -> memref<4096xi32, #tpu.memory_space<hbm>>
        tpu.enqueue_dma source(%dma_start3A_320 : memref<4096xi32, #tpu.memory_space<hbm>>) target(%dma_start3A_319 : memref<4096xi32, #tpu.memory_space<vmem>>) target_semaphore(%arg13 : memref<!tpu.dma_semaphore, #tpu.memory_space<semaphore_mem>>)
        %dma_start3A_321 = arith.constant 1 : i32
        %dma_start3A_322 = arith.constant 0 : i32
        %dma_start3A_323 = arith.constant 0 : i32
        %dma_start3A_324 = tpu.memref_slice %arg10[%dma_start3A_321, %dma_start3A_322, %dma_start3A_323] : memref<2x2x4096xi32, #tpu.memory_space<vmem>> -> memref<1x1x4096xi32, #tpu.memory_space<vmem>>
        %dma_start3A_325 = tpu.memref_squeeze %dma_start3A_324 : memref<1x1x4096xi32, #tpu.memory_space<vmem>> -> memref<4096xi32, #tpu.memory_space<vmem>>
        %dma_start3A_326 = tpu.memref_slice %arg5[%mul3A_300] : memref<131072xi32, #tpu.memory_space<hbm>> -> memref<4096xi32, #tpu.memory_space<hbm>>
        %dma_start3A_327 = arith.constant 0 : i32
        %dma_start3A_328 = tpu.memref_slice %arg10[%dma_start3A_321, %dma_start3A_322, %dma_start3A_327] : memref<2x2x4096xi32, #tpu.memory_space<vmem>> -> memref<1x1x4096xi32, #tpu.memory_space<vmem>>
        %dma_start3A_329 = tpu.memref_squeeze %dma_start3A_328 : memref<1x1x4096xi32, #tpu.memory_space<vmem>> -> memref<4096xi32, #tpu.memory_space<vmem>>
        %dma_start3A_330 = tpu.memref_slice %arg5[%mul3A_300] : memref<131072xi32, #tpu.memory_space<hbm>> -> memref<4096xi32, #tpu.memory_space<hbm>>
        tpu.enqueue_dma source(%dma_start3A_330 : memref<4096xi32, #tpu.memory_space<hbm>>) target(%dma_start3A_329 : memref<4096xi32, #tpu.memory_space<vmem>>) target_semaphore(%arg13 : memref<!tpu.dma_semaphore, #tpu.memory_space<semaphore_mem>>)
        %dma_start3A_331 = arith.constant 1 : i32
        %dma_start3A_332 = arith.constant 1 : i32
        %dma_start3A_333 = arith.constant 0 : i32
        %dma_start3A_334 = tpu.memref_slice %arg10[%dma_start3A_331, %dma_start3A_332, %dma_start3A_333] : memref<2x2x4096xi32, #tpu.memory_space<vmem>> -> memref<1x1x4096xi32, #tpu.memory_space<vmem>>
        %dma_start3A_335 = tpu.memref_squeeze %dma_start3A_334 : memref<1x1x4096xi32, #tpu.memory_space<vmem>> -> memref<4096xi32, #tpu.memory_space<vmem>>
        %dma_start3A_336 = tpu.memref_slice %arg6[%mul3A_300] : memref<131072xi32, #tpu.memory_space<hbm>> -> memref<4096xi32, #tpu.memory_space<hbm>>
        %dma_start3A_337 = arith.constant 0 : i32
        %dma_start3A_338 = tpu.memref_slice %arg10[%dma_start3A_331, %dma_start3A_332, %dma_start3A_337] : memref<2x2x4096xi32, #tpu.memory_space<vmem>> -> memref<1x1x4096xi32, #tpu.memory_space<vmem>>
        %dma_start3A_339 = tpu.memref_squeeze %dma_start3A_338 : memref<1x1x4096xi32, #tpu.memory_space<vmem>> -> memref<4096xi32, #tpu.memory_space<vmem>>
        %dma_start3A_340 = tpu.memref_slice %arg6[%mul3A_300] : memref<131072xi32, #tpu.memory_space<hbm>> -> memref<4096xi32, #tpu.memory_space<hbm>>
        tpu.enqueue_dma source(%dma_start3A_340 : memref<4096xi32, #tpu.memory_space<hbm>>) target(%dma_start3A_339 : memref<4096xi32, #tpu.memory_space<vmem>>) target_semaphore(%arg13 : memref<!tpu.dma_semaphore, #tpu.memory_space<semaphore_mem>>)
      } else {
      }
    }
    %scan3A_115 = arith.constant 16 : i32
    %dma_wait3A = arith.constant 0 : i32
    %dma_wait3A_116 = arith.constant 0 : i32
    %dma_wait3A_117 = arith.constant 0 : i32
    %dma_wait3A_118 = tpu.memref_slice %arg11[%dma_wait3A, %dma_wait3A_116, %dma_wait3A_117] : memref<2x2x4096xf32, #tpu.memory_space<vmem>> -> memref<1x2x4096xf32, #tpu.memory_space<vmem>>
    %dma_wait3A_119 = tpu.memref_squeeze %dma_wait3A_118 : memref<1x2x4096xf32, #tpu.memory_space<vmem>> -> memref<2x4096xf32, #tpu.memory_space<vmem>>
    %dma_wait3A_120 = arith.constant 0 : i32
    %dma_wait3A_121 = arith.constant 0 : i32
    %dma_wait3A_122 = tpu.memref_slice %arg7[%dma_wait3A_120, %dma_wait3A_121] : memref<64x131072xf32, #tpu.memory_space<hbm>> -> memref<2x4096xf32, #tpu.memory_space<hbm>>
    %dma_wait3A_123 = arith.constant 0 : i32
    %dma_wait3A_124 = arith.constant 0 : i32
    %dma_wait3A_125 = tpu.memref_slice %arg7[%dma_wait3A_123, %dma_wait3A_124] : memref<64x131072xf32, #tpu.memory_space<hbm>> -> memref<2x4096xf32, #tpu.memory_space<hbm>>
    %dma_wait3A_126 = arith.constant 0 : i32
    %dma_wait3A_127 = arith.constant 0 : i32
    %dma_wait3A_128 = tpu.memref_slice %arg11[%dma_wait3A, %dma_wait3A_126, %dma_wait3A_127] : memref<2x2x4096xf32, #tpu.memory_space<vmem>> -> memref<1x2x4096xf32, #tpu.memory_space<vmem>>
    %dma_wait3A_129 = tpu.memref_squeeze %dma_wait3A_128 : memref<1x2x4096xf32, #tpu.memory_space<vmem>> -> memref<2x4096xf32, #tpu.memory_space<vmem>>
    tpu.wait_dma2 semaphore(%arg14 : memref<!tpu.dma_semaphore, #tpu.memory_space<semaphore_mem>>) src(%dma_wait3A_129 : memref<2x4096xf32, #tpu.memory_space<vmem>>) dst(%dma_wait3A_125 : memref<2x4096xf32, #tpu.memory_space<hbm>>)
    %dma_wait3A_130 = arith.constant 1 : i32
    %dma_wait3A_131 = arith.constant 0 : i32
    %dma_wait3A_132 = arith.constant 0 : i32
    %dma_wait3A_133 = tpu.memref_slice %arg11[%dma_wait3A_130, %dma_wait3A_131, %dma_wait3A_132] : memref<2x2x4096xf32, #tpu.memory_space<vmem>> -> memref<1x2x4096xf32, #tpu.memory_space<vmem>>
    %dma_wait3A_134 = tpu.memref_squeeze %dma_wait3A_133 : memref<1x2x4096xf32, #tpu.memory_space<vmem>> -> memref<2x4096xf32, #tpu.memory_space<vmem>>
    %dma_wait3A_135 = arith.constant 0 : i32
    %dma_wait3A_136 = arith.constant 0 : i32
    %dma_wait3A_137 = tpu.memref_slice %arg7[%dma_wait3A_135, %dma_wait3A_136] : memref<64x131072xf32, #tpu.memory_space<hbm>> -> memref<2x4096xf32, #tpu.memory_space<hbm>>
    %dma_wait3A_138 = arith.constant 0 : i32
    %dma_wait3A_139 = arith.constant 0 : i32
    %dma_wait3A_140 = tpu.memref_slice %arg7[%dma_wait3A_138, %dma_wait3A_139] : memref<64x131072xf32, #tpu.memory_space<hbm>> -> memref<2x4096xf32, #tpu.memory_space<hbm>>
    %dma_wait3A_141 = arith.constant 0 : i32
    %dma_wait3A_142 = arith.constant 0 : i32
    %dma_wait3A_143 = tpu.memref_slice %arg11[%dma_wait3A_130, %dma_wait3A_141, %dma_wait3A_142] : memref<2x2x4096xf32, #tpu.memory_space<vmem>> -> memref<1x2x4096xf32, #tpu.memory_space<vmem>>
    %dma_wait3A_144 = tpu.memref_squeeze %dma_wait3A_143 : memref<1x2x4096xf32, #tpu.memory_space<vmem>> -> memref<2x4096xf32, #tpu.memory_space<vmem>>
    tpu.wait_dma2 semaphore(%arg15 : memref<!tpu.dma_semaphore, #tpu.memory_space<semaphore_mem>>) src(%dma_wait3A_144 : memref<2x4096xf32, #tpu.memory_space<vmem>>) dst(%dma_wait3A_140 : memref<2x4096xf32, #tpu.memory_space<hbm>>)
    return
  }
}

</mosaic_0001>

<sc_bundles>
// kernel: kernel.3.cloned.1.call-start
scs
__scs_entry_jumppad:
0x0: {  	(pc) =	sbr.rel $0x88, $3  }
0x1: {  	(tag) =	ssettag $0x0;
	lr =	simm.s32 $0x1  }
0x2: {  	[smem:$0x3F9E] =	sst lr;
	_ =	strace $0xD0000000  }
0x3: {  	_ = 	snop  }
0x4: {  	_ = 	snop  }
0x5: {  	_ = 	snop  }
0x6: {  	_ = 	snop  }
0x7: {  	_ = 	snop  }
__scs_overlays_trampoline_lowered:
0x8: {  	[smem:$0x3FAD] =	sst s0  }
0x9: {  	[smem:$0x3FAE] =	sst s1  }
0xa: {  	[smem:$0x3FAF] =	sst s2  }
0xb: {  	[smem:$0x3FB0] =	sst s3  }
0xc: {  	[smem:$0x3FB1] =	sst s4  }
0xd: {  	[smem:$0x3FB2] =	sst s5  }
0xe: {  	[smem:$0x3FB3] =	sst s6  }
0xf: {  	[smem:$0x3FB4] =	sst s7  }
0x10: {  	[smem:$0x3FB5] =	sst s8  }
0x11: {  	[smem:$0x3FB6] =	sst s9;
	s0 =	simm.s32 @!p0 $0x0  }
0x12: {  	s1 =	sld [smem:$0x3F9C];
	s0 =	simm.s32 @p0 $0x1  }
0x13: {  	[smem:$0x3FB7] =	sst s0;
	s0 =	simm.s32 @!p1 $0x0  }
0x14: {  	s2 =	sld [smem:$0x3F9B];
	s0 =	simm.s32 @p1 $0x1  }
0x15: {  	[smem:$0x3FB8] =	sst s0;
	s0 =	simm.s32 @!p2 $0x0  }
0x16: {  	s3 =	sld [smem:$0x3FDB];
	s0 =	simm.s32 @p2 $0x1  }
0x17: {  	s4 =	simm.s32 $0x1BF5;
	[smem:$0x3FBA] =	sst s0  }
0x18: {  	s0 =	sld [smem:$0x3F9D];
	_ =	swait.ge [sflag:s4], $0x0  }
0x19: {  	s7 =	sld [smem:$0x3F9E]  }
0x1a: {  	s8 =	sadd.s32 $0xFFFFE003, lr  }
0x1b: {  	s9 =	sadd.s32 $0xFFFFFEF7, lr;
	s5 =	simm.s32 $0xFFFFFFFF;
	p2 =	slt.u32 s8, $0xFFFFF086  }
0x1c: {  	p1 =	slt.u32 s9, $0xF7A;
	s5 =	simm.s32 @!p2 $0x0  }
0x1d: {  	s5 =	simm.s32 @p1 $0x1;
	p0 =	seq.s32 s7, s2  }
0x1e: {  	s7 =	smul.u32 @!p0 $0xF7A, s2;
	p2 =	seq.s32 @!p0 s5, $0x0  }
0x1f: {  	s9 =	smul.u32 $0xF7A, s1;
	s8 =	simm.s32 @!p0 $0x1BF5;
	p2 =	por !p2, p0  }
0x20: {  	[sflag:s8] =	ssyncset.s32 @!p0 $0xFFFFF086;
	s6 =	sadd.s32 @!p0 s3, s7;
	s7 =	simm.s32 @!p0 $0x108  }
0x21: {  	s3 =	sadd.s32 s3, s9;
	s6 =	sadd.s32 @!p0 $0x88, s6;
	s7 =	simm.s32 @p2 $0x1082  }
0x22: {  	[simem:s7], [sflag:s8] =	dma.local @!p0 [hbm:s6], $0xF7A  }
0x23: {  	s9 =	sor.u32 $0xD0000000, s2;
	s6 =	simm.s32 $0x108;
	_ =	swait.ge @!p0 [sflag:s8], $0x0  }
0x24: {  	s3 =	sadd.s32 $0x88, s3;
	s6 =	simm.s32 @!p1 $0x1082;
	[sflag:s4] =	ssyncset.s32 $0xFFFFF086  }
0x25: {  	[simem:s6], [sflag:s4] =	dma.local [hbm:s3], $0xF7A  }
0x26: {  	[smem:$0x3F9E] =	sst s1;
	(tag) =	ssettag s2;
	_ =	strace s9  }
0x27: {  	s1 =	sld [smem:$0x3FAE]  }
0x28: {  	s2 =	sld [smem:$0x3FAF]  }
0x29: {  	s4 =	sld [smem:$0x3FB1]  }
0x2a: {  	p0 =	seq.s32 s5, $0x0;
	s5 =	sld [smem:$0x3FB2]  }
0x2b: {  	s6 =	sld [smem:$0x3FB3]  }
0x2c: {  	s7 =	sld [smem:$0x3FB4]  }
0x2d: {  	s3 =	simm.s32 $0x108;
	s8 =	sld [smem:$0x3FB5]  }
0x2e: {  	s3 =	simm.s32 @!p0 $0x1082;
	s9 =	sld [smem:$0x3FB6]  }
0x2f: {  	lr =	sadd.s32 s0, s3;
	s0 =	sld [smem:$0x3FAD]  }
0x30: {  	s3 =	sld [smem:$0x3FB0]  }
0x31: {  	[smem:$0x3FB9] =	sst s10  }
0x32: {  	s10 =	sld [smem:$0x3FB7];
	_ =	sdelay $0x3  }
0x33: {  	p0 =	seq.s32 s10, $0x1;
	s10 =	sld [smem:$0x3FB9];
	_ =	sdelay $0x3  }
0x34: {  	[smem:$0x3FB9] =	sst s10  }
0x35: {  	s10 =	sld [smem:$0x3FB8];
	_ =	sdelay $0x3  }
0x36: {  	p1 =	seq.s32 s10, $0x1;
	s10 =	sld [smem:$0x3FB9];
	_ =	sdelay $0x3  }
0x37: {  	[smem:$0x3FB9] =	sst s10  }
0x38: {  	s10 =	sld [smem:$0x3FBA]  }
0x39: {  	_ = 	snop;
	(pc) =	sbr.ind lr, $3  }
0x3a: {  	_ = 	snop  }
0x3b: {  	_ = 	snop  }
0x3c: {  	p2 =	seq.s32 s10, $0x1;
	s10 =	sld [smem:$0x3FB9]  }
0x3d: {  	_ =	shalt  }
0x3e: {  	_ =	shalt  }
0x3f: {  	_ =	shalt  }
0x40: {  	_ =	shalt  }
0x41: {  	_ =	shalt  }
0x42: {  	_ =	shalt  }
0x43: {  	_ =	shalt  }
0x44: {  	_ =	shalt  }
0x45: {  	_ =	shalt  }
0x46: {  	_ =	shalt  }
0x47: {  	_ =	shalt  }
0x48: {  	_ =	shalt  }
0x49: {  	_ =	shalt  }
0x4a: {  	_ =	shalt  }
0x4b: {  	_ =	shalt  }
0x4c: {  	_ =	shalt  }
0x4d: {  	_ =	shalt  }
0x4e: {  	_ =	shalt  }
0x4f: {  	_ =	shalt  }
0x50: {  	_ =	shalt  }
0x51: {  	_ =	shalt  }
0x52: {  	_ =	shalt  }
0x53: {  	_ =	shalt  }
0x54: {  	_ =	shalt  }
0x55: {  	_ =	shalt  }
0x56: {  	_ =	shalt  }
0x57: {  	_ =	shalt  }
0x58: {  	_ =	shalt  }
0x59: {  	_ =	shalt  }
0x5a: {  	_ =	shalt  }
0x5b: {  	_ =	shalt  }
0x5c: {  	_ =	shalt  }
0x5d: {  	_ =	shalt  }
0x5e: {  	_ =	shalt  }
0x5f: {  	_ =	shalt  }
0x60: {  	_ =	shalt  }
0x61: {  	_ =	shalt  }
0x62: {  	_ =	shalt  }
0x63: {  	_ =	shalt  }
0x64: {  	_ =	shalt  }
0x65: {  	_ =	shalt  }
0x66: {  	_ =	shalt  }
0x67: {  	_ =	shalt  }
0x68: {  	_ =	shalt  }
0x69: {  	_ =	shalt  }
0x6a: {  	_ =	shalt  }
0x6b: {  	_ =	shalt  }
0x6c: {  	_ =	shalt  }
0x6d: {  	_ =	shalt  }
0x6e: {  	_ =	shalt  }
0x6f: {  	_ =	shalt  }
0x70: {  	_ =	shalt  }
0x71: {  	_ =	shalt  }
0x72: {  	_ =	shalt  }
0x73: {  	_ =	shalt  }
0x74: {  	_ =	shalt  }
0x75: {  	_ =	shalt  }
0x76: {  	_ =	shalt  }
0x77: {  	_ =	shalt  }
0x78: {  	_ =	shalt  }
0x79: {  	_ =	shalt  }
0x7a: {  	_ =	shalt  }
0x7b: {  	_ =	shalt  }
0x7c: {  	_ =	shalt  }
0x7d: {  	_ =	shalt  }
0x7e: {  	_ =	shalt  }
0x7f: {  	_ =	shalt  }
0x80: {  	_ =	shalt  }
0x81: {  	_ =	shalt  }
0x82: {  	_ =	shalt  }
0x83: {  	_ =	shalt  }
0x84: {  	_ =	shalt  }
0x85: {  	_ =	shalt  }
0x86: {  	_ =	shalt  }
0x87: {  	_ =	shalt  }
.Lfunc_end0:
.L_simem_size_0:
called_computation.1_lowered:
.L_overlay_start_0:
0x88: {  	s2 =	sld [smem:$0x3FD9]  }
0x89: {  	s3 =	sld [smem:$0x3FFE];
	_ =	sdelay $0x1  }
0x8a: {  	s1 =	srdreg.scid  }
0x8b: {  	s0 =	sand.u32 $0x1, s1  }
0x8c: {  	s17 =	sshll.u32 s0, $0xA;
	s2 =	sadd.s32 s3, s2  }
0x8d: {  	s2 =	sadd.s32 s2, s17  }
0x8e: {  	[smem:$0x3FC5] =	sst s2  }
0x8f: {  	_ = 	snop  }
0x90: {  	s2 =	sld [smem:$0x3FC9]  }
0x91: {  	s18 =	sld [smem:$0x3FD0];
	(tm) =	ssettm $0x1  }
0x92: {  	s4 =	sld [smem:$0x3FFB];
	_ =	sdelay $0x3  }
0x93: {  	_ =	strace s4  }
0x94: {  	s4 =	sld [smem:$0x3FFC];
	_ =	sdelay $0x3  }
0x95: {  	_ =	strace s4  }
0x96: {  	s4 =	sld [smem:$0x3FFD];
	_ =	sdelay $0x3  }
0x97: {  	_ =	strace s4  }
0x98: {  	_ =	strace $0x8FFFFFFF  }
0x99: {  	s19 =	sld [smem:$0x3FDB];
	_ =	sdelay $0x1  }
0x9a: {  	s5 =	simm.s32 $_scs_section_size  }
0x9b: {  	s6 =	simm.s32 $_size__tile_overlayer_lowered;
	s7 =	simm.s32 $_tile_overlayer_lowered  }
0x9c: {  	s22 =	simm.s32 $0x1BFF;
	s21 =	sshll.u32 s7, $0x1;
	s4 =	sadd.s32 s5, s19  }
0x9d: {  	s8 =	simm.s32 $0x0;
	s20 =	sshll.u32 s6, $0x1;
	s6 =	sadd.s32 s21, s4  }
0x9e: {  	[timem:s8], [sflag:s22] =	dma.local [hbm:s6], s20  }
0x9f: {  	_ =	swait.ge [sflag:s22], s20  }
0xa0: {  	s5 =	ssub.s32 $0x0, s20;
	[sflag:s22] =	ssyncset.done $0x0  }
0xa1: {  	[sflag:s22] =	ssyncadd.s32 s5;
	_ =	sdelay $0x1  }
0xa2: {  	s23 =	simm.s32 $0x1B8B  }
0xa3: {  	_ =	swait.ge [sflag:s23], $0x1  }
0xa4: {  	[sflag:s23] =	ssyncset.done $0x0  }
0xa5: {  	s25 =	simm.s32 $0x1B8E;
	s24 =	sld [smem:$0x3FFE];
	[sflag:s23] =	ssyncadd.s32 $0xFFFFFFFF  }
0xa6: {  	s26 =	simm.s32 $execute0_lowered;
	[smem:$0x3FD2] =	sst s25  }
0xa7: {  	s6 =	sshll.u32 s26, $0x1;
	_ =	strace $0x80000046;
	[dreg:$0x1] =	wrdreg $0xFFFFFFFF  }
0xa8: {  	s28 =	simm.s32 $_size_execute0_lowered;
	s4 =	sadd.s32 s4, s6;
	[dreg:$0x0] =	wrdreg $0x0  }
0xa9: {  	s6 =	sshll.u32 s28, $0x1;
	[dreg:$0x2] =	wrdreg s4  }
0xaa: {  	[dreg:$0x3] =	wrdreg s6  }
0xab: {  	[dreg:$0x4] =	wrdreg $0xC0  }
0xac: {  	_ =	task [dreg:s8], $0x5FFFF  }
0xad: {  	[dreg:$0x1] =	wrdreg $0xFFFFFFFF  }
0xae: {  	[dreg:$0x0] =	wrdreg $0x60  }
0xaf: {  	[dreg:$0x2] =	wrdreg s2  }
0xb0: {  	[dreg:$0x3] =	wrdreg s24  }
0xb1: {  	[dreg:$0x4] =	wrdreg s18  }
0xb2: {  	[dreg:$0x5] =	wrdreg $0x9  }
0xb3: {  	_ =	task.clear_ibuf [dreg:s8], $0x6FFFF;
	_ =	strace $0x90000046  }
0xb4: {  	s29 =	simm.s32 $0x9;
	_ =	strace $0x80000048  }
0xb5: {  	_ =	swait.ge [sflag:s29], $0x1  }
0xb6: {  	[sflag:s29] =	ssyncadd.s32 $0xFFFFFFFF  }
0xb7: {  	_ =	strace $0x90000048  }
0xb8: {  	_ =	sfence  }
0xb9: {  	s30 =	sld [smem:$0x0];
	_ =	sdelay $0x2  }
0xba: {  	s31 =	sshll.u32 s1, $0xD;
	s1 =	sshrl.u32 s1, $0x2  }
0xbb: {  	s3 =	sand.u32 $0x4000, s31;
	s1 =	sadd.s32 s1, s30  }
0xbc: {  	s0 =	sor.u32 s3, s0;
	s1 =	sshll.u32 s1, $0x11  }
0xbd: {  	s0 =	sor.u32 s1, s0  }
0xbe: {  	s0 =	sadd.s32 $0x8F2B, s0  }
0xbf: {  	[sflag:s0] =	ssyncadd.remote.s32 $0x1  }
0xc0: {  	_ =	sfence.sel $0xFFFF  }
0xc1: {  	[dreg:$0x0] =	wrdreg $0xFFFFFFFF;
	(pc) =	sbr.abs _section_cstart, $3  }
0xc2: {  	[dreg:$0x1] =	wrdreg $0xFFFFFFFF  }
0xc3: {  	_ =	task.clear_ibuf [dreg:s8], $0x2FFFF;
	_ =	strace $0x9FFFFFFF  }
0xc4: {  	(tm) =	ssettm $0x7FFFFFFF  }
0xc5: {  	_ =	shalt  }
tec
execute0_lowered:
.L_overlay_start_1:
0x0: {  	(tag) =	ssettag $0x1  }
0x1: {  	s0 =	rddreg [dreg:$0x0]  }
0x2: {  	s1 =	rddreg [dreg:$0x1]  }
0x3: {  	s12 =	rddreg [dreg:$0x2];
	s4 =	srdreg.scid;
	s3 =	simm.s32 $0x0  }
0x4: {  	s2 =	stileid.u32;
	s15 =	simm.s32 $0x100;
	s16 =	simm.s32 $0x400  }
0x5: {  	s17 =	simm.s32 $0x18000;
	s18 =	simm.s32 $0x5;
	s19 =	simm.s32 $0x1  }
0x6: {  	s20 =	simm.s32 $0x2;
	s7 =	sand.u32 $0x1, s4;
	[smem:$0x7FF] =	sst s3  }
0x7: {  	s5 =	sshll.u32 s2, $0x2;
	s4 =	sadd.s32 $0xE00, s1;
	s8 =	sshll.u32 s2, $0xF  }
0x8: {  	s30 =	sshll.u32 s2, $0x13;
	s2 =	simm.s32 $0x0;
	s6 =	sshll.u32 s7, $0x1  }
0x9: {  	_ =	strace $0x80000047;
	s10 =	ssub.s32 $0x2, s7;
	s11 =	sor.u32 s6, s5  }
0xa: {  	s7 =	sadd.s32 $0xCE00, s1;
	s5 =	sadd.s32 $0x8E00, s1;
	s9 =	sshll.u32 s11, $0x4  }
0xb: {  	s6 =	sadd.s32 $0x4E00, s1;
	s29 =	sshrl.u32 s10, $0x1;
	s8 =	sor.u32 s9, s8  }
.Ltmp0:
0xc: {  	s14 =	ssub.s32 s10, s29;
	s8 =	sand.u32 $0x70060, s8;
	(pc) =	sbr.rel .LBB2_1-.Ltmp0, $4  }
0xd: {  	s10 =	sadd.s32 $0x200, s12;
	s13 =	sshll.u32 s11, $0x7;
	s0 =	sadd.s32 s0, s8  }
0xe: {  	s31 =	smax.u32 s14, $0x1;
	[dreg:$0x4] =	wrdreg s0;
	s0 =	sor.u32 s30, s13  }
0xf: {  	s11 =	sadd.s32 $0x9000, s1;
	[dreg:$0x6] =	wrdreg s31;
	s13 =	sand.u32 $0x700300, s0  }
0x10: {  	s12 =	sadd.s32 $0x5000, s1;
	s9 =	sadd.s32 $0x1000, s1;
	[dreg:$0x5] =	wrdreg s13  }
.LBB2_46:
0x11: {  	s0 =	simm.s32 $0x3  }
0x12: {  	_ =	swait.ge [sflag:s0], $0x2000  }
0x13: {  	[sflag:s0] =	ssyncset.done $0x0  }
0x14: {  	s1 =	simm.s32 $0x4;
	[sflag:s0] =	ssyncadd.s32 $0xFFFFE000  }
0x15: {  	_ =	swait.ge [sflag:s1], $0x2000  }
0x16: {  	s2 =	rddreg [dreg:$0x7]  }
0x17: {  	s31 =	rddreg [dreg:$0x6];
	s2 =	sadd.s32 $0x1, s2  }
0x18: {  	p0 =	sne.s32 s2, s31  }
.Ltmp1:
0x19: {  	_ = 	snop;
	(pc) =	sbr.rel @!p0 .LBB2_47-.Ltmp1, $3  }
0x1a: {  	_ =	sdelay $0x1  }
0x1b: {  	[sflag:s1] =	ssyncset.done $0x0  }
0x1c: {  	[sflag:s1] =	ssyncadd.s32 $0xFFFFE000  }
.LBB2_1:
0x1d: {  	[dreg:$0x7] =	wrdreg s2;
	s0 =	simm.s32 $0x0  }
.LBB2_2:
0x1e: {  	s25 =	sshll.u32 s0, $0xC;
	s1 =	rddreg [dreg:$0x4];
	p0 =	por $0x0, $0x0  }
0x1f: {  	s14 =	simm.s32 $0x1;
	s22 =	simm.s32 $0x0;
	s1 =	sadd.s32 s25, s1  }
0x20: {  	[tilespmem:s17], [sflag:$0x5] =	stream.strided.gather [hbm4b:s1+s15], $0x2000, s16, s15, $0x38;
	[tilespmem:$0x1C000] =	vst v63  }
0x21: {  	s14 =	simm.s32 @!p0 $0x0;
	s23 =	sand.u32 $0x1F00, s22;
	s1 =	sand.u32 $0x40, s22  }
0x22: {  	s14 =	sshll.u32 s14, $0x6;
	s23 =	sor.u32 $0x18000, s23;
	_ =	swait.ge [sflag:s18], $0x2000  }
0x23: {  	s14 =	sadd.s32 $0x0, s14;
	s26 =	sor.u32 $0x30, s1;
	[sflag:s18] =	ssyncset.done $0x0  }
0x24: {  	s28 =	sor.u32 s26, s23;
	s29 =	sadd.s32 $0x30, s14;
	[sflag:s18] =	ssyncadd.s32 $0xFFFFE000  }
0x25: {  	s30 =	sadd.s32 $0x10, s14;
	v5 =	vld [tilespmem:s28+$0x0];
	s28 =	sor.u32 $0x80, s29  }
0x26: {  	s30 =	sor.u32 $0x80, s30;
	s29 =	sadd.s32 $0x20, s14;
	v8 =	vld [tilespmem:s28+$0x18000]  }
0x27: {  	v0 =	vld [tilespmem:s30+$0x18000];
	s28 =	sor.u32 $0x80, s29  }
0x28: {  	s14 =	sor.u32 $0x80, s14;
	v1 =	vld [tilespmem:s28+$0x18000]  }
0x29: {  	v2 =	vld [tilespmem:s14+$0x18000]  }
0x2a: {  	s21 =	sor.u32 s1, s23;
	s29 =	sor.u32 $0x10, s1  }
0x2b: {  	v3 =	vld [tilespmem:s21+$0x0];
	s28 =	sor.u32 $0x20, s1;
	s31 =	sor.u32 s29, s23;
	v4 =	vshrl.u32 v5, $0x10;
	v6 =	vshrl.u32 v8, $0x10  }
0x2c: {  	s24 =	sor.u32 s28, s23;
	v7 =	vshrl.u32 v0, $0x10;
	v9 =	vand.u32 $0x1, v4;
	v4 =	vld [tilespmem:s31+$0x0];
	v10 =	vand.u32 $0x1, v6  }
0x2d: {  	s30 =	simm.s32 $0x0;
	v6 =	vshrl.u32 v1, $0x10;
	v9 =	vadd.s32 v9, v5;
	v5 =	vld [tilespmem:s24+$0x0];
	v10 =	vadd.s32 v10, v8  }
0x2e: {  	s14 =	simm.s32 $0x40;
	s23 =	sand.u32 $0xF80, s22;
	s31 =	simm.s32 $0x80;
	v8 =	vshrl.u32 v2, $0x10;
	v9 =	vadd.s32 $0x7FFF, v9;
	v10 =	vadd.s32 $0x7FFF, v10  }
.LBB2_3:
0x2f: {  	s22 =	sand.u32 $0x40, s14  }
0x30: {  	v11 =	vshrl.u32 v3, $0x10;
	s23 =	sadd.s32 s23, s25;
	v9 =	vshrl.u32 v9, $0x10;
	v10 =	vand.u32 $0xFFFF0000, v10;
	p0 =	por !p0, !p0;
	s24 =	simm.s32 $0x1  }
0x31: {  	s30 =	sadd.s32 $0x4, s30;
	v7 =	vand.u32 $0x1, v7;
	s24 =	simm.s32 @!p0 $0x0;
	v12 =	vshrl.u32 v4, $0x10;
	v9 =	vor.u32 v9, v10;
	s26 =	sadd.s32 s26, s23  }
0x32: {  	s21 =	sand.u32 $0x1F00, s31;
	v8 =	vand.u32 $0x1, v8;
	v6 =	vand.u32 $0x1, v6;
	p1 =	slt.u32 s30, $0xFC;
	s24 =	sshll.u32 s24, $0x6;
	v10 =	vshrl.u32 v5, $0x10;
	[tilespmem:s26+$0x0] =	vst v9  }
0x33: {  	s21 =	sor.u32 $0x18000, s21;
	s26 =	sor.u32 $0x30, s22;
	v9 =	vand.u32 $0x1, v11;
	v11 =	vand.u32 $0x1, v12;
	s24 =	sadd.s32 s24, s31;
	v10 =	vand.u32 $0x1, v10  }
0x34: {  	v2 =	vadd.s32 v8, v2;
	v0 =	vadd.s32 v7, v0;
	v1 =	vadd.s32 v6, v1;
	s13 =	sor.u32 s26, s21;
	s8 =	sadd.s32 $0x10, s24;
	s17 =	sadd.s32 $0x30, s24  }
0x35: {  	s2 =	sor.u32 $0x10, s22;
	v3 =	vadd.s32 v9, v3;
	v4 =	vadd.s32 v11, v4;
	s15 =	sadd.s32 $0x20, s24;
	v5 =	vadd.s32 v10, v5;
	v8 =	vld [tilespmem:s13+$0x0];
	s13 =	sor.u32 $0x80, s17  }
0x36: {  	v2 =	vadd.s32 $0x7FFF, v2;
	v6 =	vadd.s32 $0x7FFF, v0;
	v7 =	vadd.s32 $0x7FFF, v1;
	s8 =	sor.u32 $0x80, s8;
	s17 =	sor.u32 $0x20, s22;
	s15 =	sor.u32 $0x80, s15;
	v9 =	vld [tilespmem:s13+$0x18000]  }
0x37: {  	s16 =	sor.u32 s2, s21;
	s24 =	sor.u32 $0x80, s24;
	v3 =	vadd.s32 $0x7FFF, v3;
	v4 =	vadd.s32 $0x7FFF, v4;
	v5 =	vadd.s32 $0x7FFF, v5;
	s13 =	sor.u32 s22, s21;
	v0 =	vld [tilespmem:s8+$0x18000]  }
0x38: {  	v6 =	vand.u32 $0xFFFF0000, v6;
	v7 =	vand.u32 $0xFFFF0000, v7;
	v10 =	vand.u32 $0xFFFF0000, v2;
	s8 =	sor.u32 s17, s21;
	s21 =	sadd.s32 s29, s23;
	v1 =	vld [tilespmem:s15+$0x18000];
	s15 =	sadd.s32 s1, s23  }
0x39: {  	v11 =	vshrl.u32 v3, $0x10;
	v4 =	vshrl.u32 v4, $0x10;
	v5 =	vshrl.u32 v5, $0x10;
	s29 =	smov.u32 s2;
	s23 =	sadd.s32 s28, s23;
	s1 =	smov.u32 s22;
	v2 =	vld [tilespmem:s24+$0x18000]  }
.Ltmp2:
0x3a: {  	v10 =	vor.u32 v11, v10;
	v6 =	vor.u32 v4, v6;
	v11 =	vor.u32 v5, v7;
	s28 =	smov.u32 s17;
	v3 =	vld [tilespmem:s13+$0x0];
	(pc) =	sbr.rel @p1 .LBB2_3-.Ltmp2, $4  }
0x3b: {  	v12 =	vshrl.u32 v8, $0x10;
	v4 =	vld [tilespmem:s16+$0x0];
	v13 =	vshrl.u32 v9, $0x10;
	[tilespmem:s21+$0x0] =	vst v6  }
0x3c: {  	v12 =	vand.u32 $0x1, v12;
	v7 =	vshrl.u32 v0, $0x10;
	v5 =	vld [tilespmem:s8+$0x0];
	v13 =	vand.u32 $0x1, v13;
	[tilespmem:s23+$0x0] =	vst v11  }
0x3d: {  	v11 =	vadd.s32 v12, v8;
	v6 =	vshrl.u32 v1, $0x10;
	v12 =	vadd.s32 v13, v9;
	[tilespmem:s15+$0x0] =	vst v10  }
0x3e: {  	s31 =	sadd.s32 $0x80, s31;
	s23 =	sand.u32 $0xF80, s14;
	s14 =	sadd.s32 $0x40, s14;
	v9 =	vadd.s32 $0x7FFF, v11;
	v8 =	vshrl.u32 v2, $0x10;
	v10 =	vadd.s32 $0x7FFF, v12  }
0x3f: {  	v11 =	vshrl.u32 v3, $0x10;
	v9 =	vshrl.u32 v9, $0x10  }
0x40: {  	v10 =	vand.u32 $0xFFFF0000, v10;
	v7 =	vand.u32 $0x1, v7;
	v8 =	vand.u32 $0x1, v8  }
0x41: {  	v6 =	vand.u32 $0x1, v6;
	v12 =	vshrl.u32 v4, $0x10;
	v9 =	vor.u32 v9, v10  }
0x42: {  	v11 =	vand.u32 $0x1, v11;
	v2 =	vadd.s32 v8, v2;
	v0 =	vadd.s32 v7, v0  }
0x43: {  	v1 =	vadd.s32 v6, v1;
	v59 =	vshrl.u32 v5, $0x10;
	v12 =	vand.u32 $0x1, v12  }
0x44: {  	v60 =	vadd.s32 v11, v3;
	v2 =	vadd.s32 $0x7FFF, v2;
	v0 =	vadd.s32 $0x7FFF, v0  }
0x45: {  	s0 =	sadd.s32 $0x1, s0;
	v1 =	vadd.s32 $0x7FFF, v1;
	v10 =	vand.u32 $0x1, v59;
	v61 =	vadd.s32 v12, v4  }
0x46: {  	s2 =	sadd.s32 s23, s25;
	p0 =	sne.s32 s0, $0x10;
	v3 =	vadd.s32 $0x7FFF, v60;
	v0 =	vand.u32 $0xFFFF0000, v0;
	v2 =	vand.u32 $0xFFFF0000, v2  }
.Ltmp3:
0x47: {  	s8 =	sadd.s32 s26, s2;
	v62 =	vadd.s32 v10, v5;
	v4 =	vadd.s32 $0x7FFF, v61;
	v3 =	vshrl.u32 v3, $0x10;
	(pc) =	sbr.rel @p0 .LBB2_2-.Ltmp3, $4  }
0x48: {  	s1 =	sadd.s32 s1, s2;
	[tilespmem:s8+$0x0] =	vst v9;
	v5 =	vadd.s32 $0x7FFF, v62;
	v4 =	vshrl.u32 v4, $0x10;
	v63 =	vor.u32 v3, v2  }
0x49: {  	s31 =	sadd.s32 s29, s2;
	v1 =	vand.u32 $0xFFFF0000, v1;
	v5 =	vshrl.u32 v5, $0x10;
	v0 =	vor.u32 v4, v0;
	[tilespmem:s1+$0x0] =	vst v63  }
0x4a: {  	s13 =	sadd.s32 s28, s2;
	v1 =	vor.u32 v5, v1;
	[tilespmem:s31+$0x0] =	vst v0  }
0x4b: {  	s15 =	simm.s32 $0x100;
	s16 =	simm.s32 $0x400;
	s17 =	simm.s32 $0x18000;
	[tilespmem:s13+$0x0] =	vst v1  }
0x4c: {  	s0 =	simm.s32 $0x0;
	s1 =	simm.s32 $0x10000;
	s14 =	simm.s32 $0x0  }
.LBB2_6:
0x4d: {  	p0 =	sne.s32 s14, $0x1F0  }
.Ltmp4:
0x4e: {  	_ = 	snop;
	(pc) =	sbr.rel @p0 .LBB2_6-.Ltmp4, $4  }
0x4f: {  	_ = 	snop  }
0x50: {  	s2 =	sadd.s32 s14, s4  }
0x51: {  	[tilespmem:s1], [sflag:$0x1] =	stream.linear.gather [hbm4b:s2+s0], $0x80, $0x38;
	[tilespmem:$0x1C000] =	vst v63  }
0x52: {  	s14 =	sadd.s32 $0x10, s14;
	s1 =	sadd.s32 $0x100, s1  }
0x53: {  	s14 =	simm.s32 $0x10080;
	s8 =	rddreg [dreg:$0x2];
	s21 =	simm.s32 $0x1A000  }
.LBB2_8:
0x54: {  	p0 =	sne.s32 s0, $0x1F0  }
.Ltmp5:
0x55: {  	_ = 	snop;
	(pc) =	sbr.rel @p0 .LBB2_8-.Ltmp5, $4  }
0x56: {  	_ = 	snop  }
0x57: {  	s2 =	sadd.s32 s0, s8;
	s1 =	simm.s32 $0x0  }
0x58: {  	[tilespmem:s14], [sflag:$0x1] =	stream.linear.gather [hbm4b:s2+s1], $0x80, $0x38;
	[tilespmem:$0x1C000] =	vst v63  }
0x59: {  	s0 =	sadd.s32 $0x10, s0;
	s14 =	sadd.s32 $0x100, s14  }
0x5a: {  	s0 =	simm.s32 $0x14000;
	s14 =	simm.s32 $0x0  }
.LBB2_10:
0x5b: {  	p0 =	sne.s32 s14, $0x1F0  }
.Ltmp6:
0x5c: {  	_ = 	snop;
	(pc) =	sbr.rel @p0 .LBB2_10-.Ltmp6, $4  }
0x5d: {  	_ = 	snop  }
0x5e: {  	s2 =	sadd.s32 s14, s5  }
0x5f: {  	[tilespmem:s0], [sflag:$0x1] =	stream.linear.gather [hbm4b:s2+s1], $0x80, $0x38;
	[tilespmem:$0x1C000] =	vst v63  }
0x60: {  	s14 =	sadd.s32 $0x10, s14;
	s0 =	sadd.s32 $0x100, s0  }
0x61: {  	s0 =	simm.s32 $0x14080;
	s1 =	simm.s32 $0x10  }
0x62: {  	s22 =	sadd.s32 $0x0, s6;
	s14 =	simm.s32 $0x14180;
	s13 =	rddreg [dreg:$0x5]  }
.LBB2_12:
0x63: {  	[tilespmem:s0], [sflag:$0x1] =	stream.linear.gather [hbm4b:s22+s3], $0x80, $0x38;
	[tilespmem:$0x1C000] =	vst v63  }
0x64: {  	s2 =	smov.u32 s1;
	s0 =	smov.u32 s14;
	p0 =	sne.s32 s1, $0x1F0  }
.Ltmp7:
0x65: {  	s1 =	sadd.s32 $0x10, s1;
	(pc) =	sbr.rel @p0 .LBB2_12-.Ltmp7, $2  }
0x66: {  	_ =	sdelay $0x2  }
0x67: {  	s14 =	sadd.s32 $0x100, s14;
	s22 =	sadd.s32 s2, s6  }
0x68: {  	[tilespmem:s0], [sflag:$0x1] =	stream.linear.gather [hbm4b:s22+s3], $0x80, $0x38;
	[tilespmem:$0x1C000] =	vst v63  }
0x69: {  	s0 =	simm.s32 $0x12000  }
0x6a: {  	s1 =	simm.s32 $0x10;
	s22 =	sadd.s32 $0x0, s9;
	s14 =	simm.s32 $0x12100  }
.LBB2_14:
0x6b: {  	[tilespmem:s0], [sflag:$0x2] =	stream.linear.gather [hbm4b:s22+s3], $0x80, $0x38;
	[tilespmem:$0x1C000] =	vst v63  }
0x6c: {  	s2 =	smov.u32 s1;
	s0 =	smov.u32 s14;
	p0 =	sne.s32 s1, $0x1F0  }
.Ltmp8:
0x6d: {  	s1 =	sadd.s32 $0x10, s1;
	(pc) =	sbr.rel @p0 .LBB2_14-.Ltmp8, $2  }
0x6e: {  	_ =	sdelay $0x2  }
0x6f: {  	s14 =	sadd.s32 $0x100, s14;
	s22 =	sadd.s32 s2, s9  }
0x70: {  	[tilespmem:s0], [sflag:$0x2] =	stream.linear.gather [hbm4b:s22+s3], $0x80, $0x38;
	[tilespmem:$0x1C000] =	vst v63  }
0x71: {  	s0 =	simm.s32 $0x12080  }
0x72: {  	s1 =	simm.s32 $0x10;
	s22 =	sadd.s32 $0x0, s10;
	s14 =	simm.s32 $0x12180  }
.LBB2_16:
0x73: {  	[tilespmem:s0], [sflag:$0x2] =	stream.linear.gather [hbm4b:s22+s3], $0x80, $0x38;
	[tilespmem:$0x1C000] =	vst v63  }
0x74: {  	s2 =	smov.u32 s1;
	s0 =	smov.u32 s14;
	p0 =	sne.s32 s1, $0x1F0  }
.Ltmp9:
0x75: {  	s1 =	sadd.s32 $0x10, s1;
	(pc) =	sbr.rel @p0 .LBB2_16-.Ltmp9, $2  }
0x76: {  	_ =	sdelay $0x2  }
0x77: {  	s14 =	sadd.s32 $0x100, s14;
	s22 =	sadd.s32 s2, s10  }
0x78: {  	[tilespmem:s0], [sflag:$0x2] =	stream.linear.gather [hbm4b:s22+s3], $0x80, $0x38;
	[tilespmem:$0x1C000] =	vst v63  }
0x79: {  	s0 =	simm.s32 $0x16000  }
0x7a: {  	s1 =	simm.s32 $0x10;
	s22 =	sadd.s32 $0x0, s11;
	s14 =	simm.s32 $0x16100  }
.LBB2_18:
0x7b: {  	[tilespmem:s0], [sflag:$0x2] =	stream.linear.gather [hbm4b:s22+s3], $0x80, $0x38;
	[tilespmem:$0x1C000] =	vst v63  }
0x7c: {  	s2 =	smov.u32 s1;
	s0 =	smov.u32 s14;
	p0 =	sne.s32 s1, $0x1F0  }
.Ltmp10:
0x7d: {  	s1 =	sadd.s32 $0x10, s1;
	(pc) =	sbr.rel @p0 .LBB2_18-.Ltmp10, $2  }
0x7e: {  	_ =	sdelay $0x2  }
0x7f: {  	s14 =	sadd.s32 $0x100, s14;
	s22 =	sadd.s32 s2, s11  }
0x80: {  	[tilespmem:s0], [sflag:$0x2] =	stream.linear.gather [hbm4b:s22+s3], $0x80, $0x38;
	[tilespmem:$0x1C000] =	vst v63  }
0x81: {  	s25 =	simm.s32 $0x0;
	s0 =	simm.s32 $0x16080  }
0x82: {  	s1 =	simm.s32 $0x10;
	s22 =	sadd.s32 $0x0, s12;
	s14 =	simm.s32 $0x16180  }
.LBB2_20:
0x83: {  	[tilespmem:s0], [sflag:$0x2] =	stream.linear.gather [hbm4b:s22+s25], $0x80, $0x38;
	[tilespmem:$0x1C000] =	vst v63  }
0x84: {  	s2 =	smov.u32 s1;
	s0 =	smov.u32 s14;
	p0 =	sne.s32 s1, $0x1F0  }
.Ltmp11:
0x85: {  	s1 =	sadd.s32 $0x10, s1;
	(pc) =	sbr.rel @p0 .LBB2_20-.Ltmp11, $2  }
0x86: {  	_ =	sdelay $0x2  }
0x87: {  	s14 =	sadd.s32 $0x100, s14;
	s22 =	sadd.s32 s2, s12  }
0x88: {  	[tilespmem:s0], [sflag:$0x2] =	stream.linear.gather [hbm4b:s22+s25], $0x80, $0x38;
	[tilespmem:$0x1C000] =	vst v63  }
.LBB2_22:
0x89: {  	_ =	swait.ge [sflag:s19], $0x1000  }
0x8a: {  	[sflag:s19] =	ssyncset.done $0x0  }
0x8b: {  	[sflag:s19] =	ssyncadd.s32 $0xFFFFF000  }
0x8c: {  	_ =	swait.ge [sflag:s19], $0x1000  }
0x8d: {  	[sflag:s19] =	ssyncset.done $0x0  }
0x8e: {  	[sflag:s19] =	ssyncadd.s32 $0xFFFFF000  }
0x8f: {  	_ =	swait.ge [sflag:s19], $0x1000  }
0x90: {  	[sflag:s19] =	ssyncset.done $0x0  }
0x91: {  	[sflag:s19] =	ssyncadd.s32 $0xFFFFF000  }
0x92: {  	_ =	swait.ge [sflag:s19], $0x1000  }
0x93: {  	p0 =	seq.s32 s25, $0x0;
	[sflag:s19] =	ssyncset.done $0x0  }
0x94: {  	s0 =	simm.s32 @!p0 $0x3;
	[sflag:s19] =	ssyncadd.s32 $0xFFFFF000  }
0x95: {  	_ =	swait.ge @!p0 [sflag:s0], $0x2000  }
0x96: {  	[sflag:s0] =	ssyncset.done @!p0 $0x0  }
0x97: {  	s26 =	simm.s32 $0x10080;
	[sflag:s0] =	ssyncadd.s32 @!p0 $0xFFFFE000  }
0x98: {  	v0 =	vld [tilespmem:s26+$0xFFFFFFF0]  }
0x99: {  	v1 =	vld [tilespmem:s26+$0xFFFFFF90]  }
0x9a: {  	v2 =	vld [tilespmem:s26+$0xFFFFFFA0]  }
0x9b: {  	v3 =	vld [tilespmem:s26+$0x70]  }
0x9c: {  	v4 =	vld [tilespmem:s26+$0xFFFFFFB0]  }
0x9d: {  	v5 =	vld [tilespmem:s26+$0xFFFFFFC0]  }
0x9e: {  	v7 =	vld [tilespmem:s26+$0xFFFFFFD0]  }
0x9f: {  	v8 =	vld [tilespmem:s26+$0xFFFFFFE0];
	v6 =	vand.u32 $0xFFFF, v0  }
0xa0: {  	s28 =	simm.s32 $0x14080;
	v9 =	vld [tilespmem:s26+$0xFFFFFF80];
	v0 =	vshrl.u32 v0, $0x10  }
0xa1: {  	v11 =	vld [tilespmem:s28+$0xFFFFFFF0]  }
0xa2: {  	v12 =	vld [tilespmem:s26+$0x0];
	v10 =	vand.u32 $0xFFFF, v3  }
0xa3: {  	v15 =	vld [tilespmem:s28+$0x70]  }
0xa4: {  	v3 =	vshrl.u32 v3, $0x10;
	v6 =	vld.idx.msk [tilespmem:v6+s3+$0x0], $0xffff  }
0xa5: {  	v0 =	vld.idx.msk [tilespmem:v0+s3+$0x0], $0xffff  }
0xa6: {  	v27 =	vld [tilespmem:s26+$0x40];
	v13 =	vshrl.u32 v1, $0x10;
	v14 =	vand.u32 $0xFFFF, v1;
	v17 =	vshrl.u32 v4, $0x10  }
0xa7: {  	v19 =	vand.u32 $0xFFFF, v4;
	v20 =	vshrl.u32 v5, $0x10;
	v21 =	vand.u32 $0xFFFF, v5;
	v10 =	vld.idx.msk [tilespmem:v10+s3+$0x0], $0xffff  }
0xa8: {  	v29 =	vld [tilespmem:s26+$0x50];
	v22 =	vshrl.u32 v7, $0x10;
	v23 =	vand.u32 $0xFFFF, v7;
	v4 =	vand.u32 $0xFFFF, v9  }
0xa9: {  	v7 =	vshrl.u32 v9, $0x10;
	v25 =	vshll.u32 v11, $0x10;
	v11 =	vand.u32 $0xFFFF0000, v11;
	v18 =	vld.idx.msk [tilespmem:v3+s3+$0x0], $0xffff  }
0xaa: {  	v5 =	vld [tilespmem:s26+$0x20];
	v26 =	vshll.u32 v6, $0x10;
	v1 =	vand.u32 $0xFFFF0000, v6;
	v6 =	vand.u32 $0xFFFF0000, v0  }
0xab: {  	v9 =	vld [tilespmem:s26+$0x30];
	v30 =	vmul.f32 v1, v25;
	v6 =	vmul.f32 v6, v11;
	v1 =	vshrl.u32 v12, $0x10  }
0xac: {  	v16 =	vshrl.u32 v2, $0x10;
	v31 =	vshll.u32 v15, $0x10;
	v3 =	vld [tilespmem:s26+$0x10];
	v32 =	vand.u32 $0xFFFF0000, v10;
	[tilespmem:$0x1FF90] =	vst v1  }
0xad: {  	v33 =	vshll.u32 v0, $0x10;
	v34 =	vld.idx.msk [tilespmem:v4+s3+$0x0], $0xffff;
	v0 =	vadd.f32 v6, v30;
	v4 =	vmul.f32 v32, v31  }
0xae: {  	v2 =	vand.u32 $0xFFFF, v2;
	v15 =	vand.u32 $0xFFFF0000, v15;
	v6 =	vand.u32 $0xFFFF0000, v18  }
0xaf: {  	v28 =	vand.u32 $0xFFFF, v12;
	v12 =	vld [tilespmem:s26+$0x60];
	v36 =	vmul.f32 v6, v15;
	v0 =	vadd.f32 v4, v0  }
0xb0: {  	v61 =	vld.idx.msk [tilespmem:v7+s3+$0x0], $0xffff  }
0xb1: {  	v14 =	vld.idx.msk [tilespmem:v14+s3+$0x0], $0xffff;
	v0 =	vadd.f32 v36, v0  }
0xb2: {  	v13 =	vld.idx.msk [tilespmem:v13+s3+$0x0], $0xffff  }
0xb3: {  	v37 =	vand.u32 $0xFFFF, v9;
	v4 =	vshrl.u32 v9, $0x10;
	v9 =	vld.idx.msk [tilespmem:v2+s3+$0x0], $0xffff;
	[tilespmem:$0x1FFA0] =	vst v0  }
0xb4: {  	v16 =	vld.idx.msk [tilespmem:v16+s3+$0x0], $0xffff  }
0xb5: {  	v19 =	vld.idx.msk [tilespmem:v19+s3+$0x0], $0xffff  }
0xb6: {  	v24 =	vshrl.u32 v8, $0x10;
	v8 =	vand.u32 $0xFFFF, v8;
	v17 =	vld.idx.msk [tilespmem:v17+s3+$0x0], $0xffff  }
0xb7: {  	v38 =	vand.u32 $0xFFFF, v27;
	v21 =	vld.idx.msk [tilespmem:v21+s3+$0x0], $0xffff  }
0xb8: {  	v10 =	vshll.u32 v10, $0x10;
	v25 =	vmul.f32 v26, v25;
	v11 =	vmul.f32 v33, v11;
	v20 =	vld.idx.msk [tilespmem:v20+s3+$0x0], $0xffff  }
0xb9: {  	v35 =	vand.u32 $0xFFFF, v5;
	v10 =	vmul.f32 v10, v31;
	v1 =	vshrl.u32 v5, $0x10;
	v23 =	vld.idx.msk [tilespmem:v23+s3+$0x0], $0xffff  }
0xba: {  	v5 =	vshrl.u32 v27, $0x10;
	v27 =	vand.u32 $0xFFFF, v29;
	v11 =	vadd.f32 v11, v25;
	v22 =	vld.idx.msk [tilespmem:v22+s3+$0x0], $0xffff  }
0xbb: {  	v30 =	vand.u32 $0xFFFF, v3;
	v7 =	vshrl.u32 v3, $0x10;
	v18 =	vshll.u32 v18, $0x10;
	v8 =	vld.idx.msk [tilespmem:v8+s3+$0x0], $0xffff  }
0xbc: {  	v3 =	vshrl.u32 v29, $0x10;
	v15 =	vmul.f32 v18, v15;
	v10 =	vadd.f32 v10, v11;
	v24 =	vld.idx.msk [tilespmem:v24+s3+$0x0], $0xffff  }
0xbd: {  	v2 =	vshrl.u32 v12, $0x10;
	v12 =	vand.u32 $0xFFFF, v12;
	v26 =	vshll.u32 v34, $0x10;
	v39 =	vld [tilespmem:s28+$0xFFFFFF80]  }
0xbe: {  	v29 =	vand.u32 $0xFFFF0000, v34;
	v31 =	vshll.u32 v61, $0x10;
	v0 =	vadd.f32 v15, v10;
	v41 =	vld [tilespmem:s28+$0xFFFFFF90]  }
0xbf: {  	v32 =	vand.u32 $0xFFFF0000, v61;
	v25 =	vshll.u32 v14, $0x10;
	v14 =	vand.u32 $0xFFFF0000, v14;
	v43 =	vld [tilespmem:s28+$0xFFFFFFA0]  }
0xc0: {  	v18 =	vshll.u32 v13, $0x10;
	v13 =	vand.u32 $0xFFFF0000, v13;
	v45 =	vld [tilespmem:s28+$0xFFFFFFB0];
	[tilespmem:$0x1FFD0] =	vst v0;
	v62 =	vshll.u32 v16, $0x10  }
0xc1: {  	v15 =	vld [tilespmem:s28+$0xFFFFFFC0];
	v16 =	vand.u32 $0xFFFF0000, v16;
	v63 =	vshll.u32 v19, $0x10;
	v57 =	vshll.u32 v17, $0x10  }
0xc2: {  	v49 =	vld [tilespmem:s28+$0xFFFFFFD0];
	v17 =	vand.u32 $0xFFFF0000, v17;
	v48 =	vshll.u32 v39, $0x10;
	v39 =	vand.u32 $0xFFFF0000, v39  }
0xc3: {  	v52 =	vld [tilespmem:s28+$0xFFFFFFE0];
	v40 =	vshll.u32 v21, $0x10;
	v26 =	vmul.f32 v26, v48;
	v31 =	vmul.f32 v31, v39  }
0xc4: {  	v28 =	vld.idx.msk [tilespmem:v28+s3+$0x0], $0xffff;
	v21 =	vand.u32 $0xFFFF0000, v21;
	v42 =	vshll.u32 v20, $0x10;
	v20 =	vand.u32 $0xFFFF0000, v20  }
0xc5: {  	v30 =	vld.idx.msk [tilespmem:v30+s3+$0x0], $0xffff;
	v44 =	vshll.u32 v23, $0x10;
	v23 =	vand.u32 $0xFFFF0000, v23;
	v0 =	vadd.f32 v31, v26  }
0xc6: {  	v35 =	vld.idx.msk [tilespmem:v35+s3+$0x0], $0xffff;
	v46 =	vshll.u32 v22, $0x10;
	v51 =	vshll.u32 v41, $0x10;
	v41 =	vand.u32 $0xFFFF0000, v41  }
0xc7: {  	v37 =	vld.idx.msk [tilespmem:v37+s3+$0x0], $0xffff;
	v53 =	vshll.u32 v43, $0x10;
	v29 =	vmul.f32 v29, v48;
	v32 =	vmul.f32 v32, v39;
	[tilespmem:$0x1FFB0] =	vst v0  }
0xc8: {  	v43 =	vand.u32 $0xFFFF0000, v43;
	v25 =	vmul.f32 v25, v51;
	v14 =	vmul.f32 v14, v51;
	v26 =	vld.idx.msk [tilespmem:v38+s3+$0x0], $0xffff  }
0xc9: {  	v58 =	vshll.u32 v45, $0x10;
	v18 =	vmul.f32 v18, v41;
	v13 =	vmul.f32 v13, v41;
	v27 =	vld.idx.msk [tilespmem:v27+s3+$0x0], $0xffff  }
0xca: {  	v45 =	vand.u32 $0xFFFF0000, v45;
	v33 =	vmul.f32 v62, v43;
	v16 =	vmul.f32 v16, v43;
	v12 =	vld.idx.msk [tilespmem:v12+s3+$0x0], $0xffff  }
0xcb: {  	v22 =	vand.u32 $0xFFFF0000, v22;
	v34 =	vmul.f32 v63, v58;
	v36 =	vmul.f32 v57, v45;
	v43 =	vld [tilespmem:s28+$0x0]  }
0xcc: {  	v17 =	vmul.f32 v17, v45;
	v54 =	vshll.u32 v15, $0x10;
	v15 =	vand.u32 $0xFFFF0000, v15;
	v0 =	vld [tilespmem:s28+$0x10]  }
0xcd: {  	v59 =	vshll.u32 v49, $0x10;
	v40 =	vmul.f32 v40, v54;
	v21 =	vmul.f32 v21, v54;
	v54 =	vld [tilespmem:s28+$0x40]  }
0xce: {  	v49 =	vand.u32 $0xFFFF0000, v49;
	v42 =	vmul.f32 v42, v15;
	v15 =	vmul.f32 v20, v15;
	v45 =	vld [tilespmem:s28+$0x20]  }
0xcf: {  	v20 =	vmul.f32 v44, v59;
	v39 =	vmul.f32 v46, v49;
	v6 =	vadd.f32 v32, v29;
	v63 =	vld [tilespmem:s28+$0x30]  }
0xd0: {  	v23 =	vmul.f32 v23, v59;
	v22 =	vmul.f32 v22, v49;
	v46 =	vld [tilespmem:s28+$0x50]  }
0xd1: {  	v48 =	vadd.f32 v39, v20;
	v49 =	vld [tilespmem:s28+$0x60];
	[tilespmem:$0x1FFC0] =	vst v6;
	v6 =	vadd.f32 v18, v25;
	v44 =	vshll.u32 v26, $0x10  }
0xd2: {  	v59 =	vshll.u32 v12, $0x10;
	v60 =	vand.u32 $0xFFFF0000, v12;
	v62 =	vshll.u32 v54, $0x10  }
0xd3: {  	v12 =	vshll.u32 v0, $0x10;
	v20 =	vmul.f32 v44, v62;
	v44 =	vand.u32 $0xFFFF0000, v0;
	v0 =	vld [tilespmem:$0x1FFA0];
	_ =	sdelay $0x1  }
0xd4: {  	[tilespmem:$0x1FFE0] =	vst v6;
	v6 =	vadd.f32 v13, v14;
	_ =	sdelay $0x1  }
0xd5: {  	s30 =	simm.s32 $0x18080;
	[tilespmem:$0x1FFF0] =	vst v6  }
0xd6: {  	v6 =	vld [tilespmem:$0x1FF90];
	[tilespmem:s30+$0x70] =	vst v0  }
0xd7: {  	v11 =	vshll.u32 v9, $0x10;
	v47 =	vshll.u32 v8, $0x10;
	v8 =	vand.u32 $0xFFFF0000, v8;
	v0 =	vld [tilespmem:$0x1FFB0]  }
0xd8: {  	v11 =	vmul.f32 v11, v53;
	v55 =	vshll.u32 v52, $0x10;
	v31 =	vshll.u32 v28, $0x10  }
0xd9: {  	v47 =	vmul.f32 v47, v55;
	v55 =	vmul.f32 v8, v55;
	v8 =	vshll.u32 v43, $0x10  }
0xda: {  	v9 =	vand.u32 $0xFFFF0000, v9;
	v56 =	vmul.f32 v31, v8  }
0xdb: {  	v19 =	vand.u32 $0xFFFF0000, v19;
	v50 =	vshll.u32 v24, $0x10;
	v13 =	vadd.f32 v33, v11  }
0xdc: {  	v24 =	vand.u32 $0xFFFF0000, v24;
	v11 =	vadd.f32 v36, v34;
	v36 =	vadd.f32 v56, v0;
	v0 =	vld [tilespmem:$0x1FFC0]  }
0xdd: {  	v9 =	vmul.f32 v9, v53;
	v19 =	vmul.f32 v19, v58;
	v52 =	vand.u32 $0xFFFF0000, v52  }
0xde: {  	v41 =	vshll.u32 v35, $0x10;
	v35 =	vand.u32 $0xFFFF0000, v35;
	v28 =	vand.u32 $0xFFFF0000, v28  }
0xdf: {  	v53 =	vshll.u32 v37, $0x10;
	v37 =	vand.u32 $0xFFFF0000, v37;
	v10 =	vmul.f32 v28, v8  }
0xe0: {  	v51 =	vadd.f32 v42, v40;
	v38 =	vshll.u32 v30, $0x10;
	v14 =	vadd.f32 v16, v9  }
0xe1: {  	v30 =	vand.u32 $0xFFFF0000, v30;
	v9 =	vadd.f32 v15, v21;
	v33 =	vadd.f32 v10, v0;
	v0 =	vld [tilespmem:$0x1FFD0]  }
0xe2: {  	v57 =	vand.u32 $0xFFFF0000, v26;
	v26 =	vmul.f32 v50, v52;
	v50 =	vshll.u32 v27, $0x10  }
0xe3: {  	v58 =	vand.u32 $0xFFFF0000, v27;
	v52 =	vmul.f32 v24, v52;
	v27 =	vshll.u32 v45, $0x10;
	v15 =	vld.idx.msk [tilespmem:v4+s3+$0x0], $0xffff  }
0xe4: {  	v61 =	vshll.u32 v63, $0x10;
	v29 =	vshll.u32 v46, $0x10;
	v25 =	vshll.u32 v49, $0x10;
	v21 =	vld.idx.msk [tilespmem:v5+s3+$0x0], $0xffff  }
0xe5: {  	v40 =	vand.u32 $0xFFFF0000, v63;
	v8 =	vmul.f32 v38, v12;
	v28 =	vld.idx.msk [tilespmem:v7+s3+$0x0], $0xffff;
	v24 =	vmul.f32 v41, v27  }
0xe6: {  	v32 =	vand.u32 $0xFFFF0000, v54;
	v47 =	vadd.f32 v26, v47;
	v26 =	vmul.f32 v53, v61;
	v53 =	vld.idx.msk [tilespmem:v3+s3+$0x0], $0xffff;
	[tilespmem:s30+$0xFFFFFFF0] =	vst v0  }
0xe7: {  	v27 =	vmul.f32 v35, v27;
	v7 =	vadd.f32 v22, v23;
	v23 =	vmul.f32 v37, v61;
	v0 =	vld [tilespmem:$0x1FFE0]  }
0xe8: {  	v2 =	vld.idx.msk [tilespmem:v2+s3+$0x0], $0xffff;
	v16 =	vmul.f32 v58, v29;
	v5 =	vmul.f32 v59, v25;
	v61 =	vadd.f32 v52, v55  }
0xe9: {  	v3 =	vmul.f32 v60, v25;
	v31 =	vshll.u32 v15, $0x10;
	v25 =	vand.u32 $0xFFFF0000, v21;
	v18 =	vld.idx.msk [tilespmem:v6+s3+$0x0], $0xffff  }
0xea: {  	v42 =	vshll.u32 v28, $0x10;
	v6 =	vmul.f32 v30, v12;
	v12 =	vadd.f32 v17, v19;
	v17 =	vld.idx.msk [tilespmem:v1+s3+$0x0], $0xffff  }
0xeb: {  	v41 =	vand.u32 $0xFFFF0000, v28;
	v28 =	vshll.u32 v21, $0x10;
	v19 =	vmul.f32 v57, v62  }
0xec: {  	v30 =	vand.u32 $0xFFFF0000, v15;
	v22 =	vshll.u32 v53, $0x10;
	v34 =	vadd.f32 v8, v0;
	v0 =	vld [tilespmem:$0x1FFF0]  }
0xed: {  	v21 =	vand.u32 $0xFFFF0000, v53;
	v1 =	vand.u32 $0xFFFF0000, v43;
	v15 =	vshll.u32 v2, $0x10  }
0xee: {  	v2 =	vand.u32 $0xFFFF0000, v2;
	v43 =	vand.u32 $0xFFFF0000, v45;
	v55 =	vshll.u32 v18, $0x10  }
0xef: {  	v62 =	vand.u32 $0xFFFF0000, v18;
	v18 =	vmul.f32 v50, v29;
	v39 =	vshll.u32 v17, $0x10  }
0xf0: {  	s31 =	simm.s32 $0x0;
	v35 =	vand.u32 $0xFFFF0000, v17;
	v29 =	vand.u32 $0xFFFF0000, v46;
	v17 =	vand.u32 $0xFFFF0000, v49  }
0xf1: {  	s29 =	simm.s32 $0x18080;
	s0 =	simm.s32 $0x10180;
	s26 =	sshll.u32 s25, $0xA;
	v38 =	vmul.f32 v55, v1;
	v37 =	vmul.f32 v62, v1;
	v0 =	vadd.f32 v6, v0  }
.LBB2_23:
0xf2: {  	v45 =	vld [tilespmem:s0+$0xFFFFFFF0]  }
0xf3: {  	v27 =	vadd.f32 v27, v14;
	v14 =	vld [tilespmem:s0+$0xFFFFFF90]  }
0xf4: {  	v60 =	vld [tilespmem:s0+$0x70]  }
0xf5: {  	v6 =	vld [tilespmem:s0+$0xFFFFFFB0]  }
0xf6: {  	v24 =	vadd.f32 v24, v13;
	v41 =	vmul.f32 v41, v44;
	v1 =	vld [tilespmem:s0+$0xFFFFFFC0]  }
0xf7: {  	v13 =	vadd.f32 v20, v51;
	v20 =	vmul.f32 v25, v32;
	v25 =	vld [tilespmem:s0+$0xFFFFFF80];
	v15 =	vmul.f32 v15, v17  }
0xf8: {  	v17 =	vmul.f32 v2, v17;
	v2 =	vld [tilespmem:s0+$0x0];
	v26 =	vadd.f32 v26, v11;
	v12 =	vadd.f32 v23, v12  }
0xf9: {  	v31 =	vmul.f32 v31, v40;
	v57 =	vld [tilespmem:s0+$0x30];
	v11 =	vadd.f32 v19, v9;
	v10 =	vadd.f32 v18, v48  }
0xfa: {  	v23 =	vld [tilespmem:s0+$0xFFFFFFA0];
	v9 =	vadd.f32 v16, v7;
	v8 =	vadd.f32 v5, v47;
	v19 =	vmul.f32 v30, v40  }
0xfb: {  	v7 =	vadd.f32 v3, v61;
	v16 =	vmul.f32 v28, v32;
	v5 =	vld [tilespmem:s0+$0xFFFFFFD0];
	v18 =	vmul.f32 v22, v29  }
0xfc: {  	s28 =	sadd.s32 $0x100, s28;
	v61 =	vld [tilespmem:s0+$0xFFFFFFE0];
	v26 =	vadd.f32 v31, v26;
	v3 =	vand.u32 $0xFFFF, v45;
	v28 =	vshrl.u32 v14, $0x10  }
0xfd: {  	v52 =	vld [tilespmem:s28+$0x70];
	v4 =	vand.u32 $0xFFFF, v14;
	v30 =	vshrl.u32 v45, $0x10;
	v62 =	vand.u32 $0xFFFF, v60  }
0xfe: {  	v31 =	vld [tilespmem:s0+$0x20];
	v14 =	vmul.f32 v21, v29;
	v22 =	vshrl.u32 v6, $0x10;
	v29 =	vand.u32 $0xFFFF, v6  }
0xff: {  	v6 =	vld [tilespmem:s28+$0xFFFFFFF0];
	v45 =	vshrl.u32 v1, $0x10;
	v46 =	vand.u32 $0xFFFF, v1;
	v1 =	vshrl.u32 v60, $0x10  }
0x100: {  	v42 =	vmul.f32 v42, v44;
	v39 =	vmul.f32 v39, v43;
	v33 =	vadd.f32 v37, v33;
	v60 =	vld [tilespmem:s0+$0x60]  }
0x101: {  	v0 =	vadd.f32 v41, v0;
	v63 =	vshrl.u32 v25, $0x10;
	v25 =	vand.u32 $0xFFFF, v25;
	v3 =	vld.idx.msk [tilespmem:v3+s3+$0x0], $0xffff  }
0x102: {  	v12 =	vadd.f32 v19, v12;
	v44 =	vshrl.u32 v5, $0x10;
	v47 =	vand.u32 $0xFFFF, v5;
	v5 =	vld.idx.msk [tilespmem:v30+s3+$0x0], $0xffff  }
0x103: {  	v35 =	vmul.f32 v35, v43;
	v13 =	vadd.f32 v16, v13;
	v21 =	vadd.f32 v38, v36;
	v32 =	vld.idx.msk [tilespmem:v62+s3+$0x0], $0xffff  }
0x104: {  	[tilespmem:s30+$0x0] =	vst v33;
	v11 =	vadd.f32 v20, v11;
	v10 =	vadd.f32 v18, v10;
	v53 =	vld.idx.msk [tilespmem:v1+s3+$0x0], $0xffff  }
0x105: {  	[tilespmem:s30+$0xFFFFFF80] =	vst v21;
	v1 =	vadd.f32 v39, v24;
	v24 =	vadd.f32 v35, v27;
	v27 =	vld [tilespmem:s0+$0x10]  }
0x106: {  	v8 =	vadd.f32 v15, v8;
	v7 =	vadd.f32 v17, v7;
	v25 =	vld.idx.msk [tilespmem:v25+s3+$0x0], $0xffff  }
0x107: {  	[tilespmem:s30+$0xFFFFFFB0] =	vst v26;
	v40 =	vshrl.u32 v23, $0x10;
	v23 =	vand.u32 $0xFFFF, v23;
	v21 =	vadd.f32 v42, v34;
	v36 =	vld.idx.msk [tilespmem:v63+s3+$0x0], $0xffff  }
0x108: {  	v43 =	vand.u32 $0xFFFF, v61;
	v58 =	vshll.u32 v52, $0x10;
	v37 =	vand.u32 $0xFFFF0000, v52;
	v29 =	vld.idx.msk [tilespmem:v29+s3+$0x0], $0xffff  }
0x109: {  	v9 =	vadd.f32 v14, v9;
	v49 =	vand.u32 $0xFFFF, v31;
	v30 =	vshrl.u32 v61, $0x10;
	[tilespmem:s30+$0xFFFFFF90] =	vst v21;
	v22 =	vld.idx.msk [tilespmem:v22+s3+$0x0], $0xffff  }
0x10a: {  	v54 =	vshll.u32 v6, $0x10;
	v56 =	vand.u32 $0xFFFF0000, v6;
	[tilespmem:s30+$0x10] =	vst v0;
	v21 =	vand.u32 $0xFFFF, v2;
	v45 =	vld.idx.msk [tilespmem:v45+s3+$0x0], $0xffff  }
0x10b: {  	v0 =	vshrl.u32 v2, $0x10;
	v48 =	vand.u32 $0xFFFF, v60;
	v28 =	vld.idx.msk [tilespmem:v28+s3+$0x0], $0xffff;
	v55 =	vshll.u32 v3, $0x10  }
0x10c: {  	v44 =	vld.idx.msk [tilespmem:v44+s3+$0x0], $0xffff;
	v3 =	vand.u32 $0xFFFF0000, v3;
	v6 =	vand.u32 $0xFFFF0000, v5;
	v2 =	vand.u32 $0xFFFF0000, v32  }
0x10d: {  	v43 =	vld.idx.msk [tilespmem:v43+s3+$0x0], $0xffff;
	v59 =	vshll.u32 v5, $0x10;
	v26 =	vand.u32 $0xFFFF, v27;
	v5 =	vand.u32 $0xFFFF0000, v53  }
0x10e: {  	[tilespmem:s30+$0xFFFFFFA0] =	vst v1;
	v1 =	vld [tilespmem:s0+$0x40];
	v32 =	vshll.u32 v32, $0x10;
	v34 =	vshll.u32 v53, $0x10;
	v62 =	vshll.u32 v25, $0x10  }
0x10f: {  	[tilespmem:s30+$0x20] =	vst v24;
	v24 =	vld [tilespmem:s0+$0x50];
	v25 =	vand.u32 $0xFFFF0000, v25;
	v63 =	vshll.u32 v36, $0x10;
	v36 =	vand.u32 $0xFFFF0000, v36  }
0x110: {  	[tilespmem:s29+$0x30] =	vst v12;
	v23 =	vld.idx.msk [tilespmem:v23+s3+$0x0], $0xffff;
	v16 =	vshll.u32 v29, $0x10;
	v29 =	vand.u32 $0xFFFF0000, v29;
	v12 =	vshll.u32 v22, $0x10  }
0x111: {  	v61 =	vld.idx.msk [tilespmem:v40+s3+$0x0], $0xffff;
	v20 =	vand.u32 $0xFFFF0000, v22;
	v3 =	vmul.f32 v3, v54;
	v6 =	vmul.f32 v6, v56  }
0x112: {  	v22 =	vld.idx.msk [tilespmem:v30+s3+$0x0], $0xffff;
	v14 =	vshll.u32 v45, $0x10;
	v2 =	vmul.f32 v2, v58;
	v33 =	vmul.f32 v55, v54  }
0x113: {  	v42 =	vand.u32 $0xFFFF0000, v45;
	v38 =	vmul.f32 v59, v56;
	v32 =	vmul.f32 v32, v58;
	v55 =	vld.idx.msk [tilespmem:v46+s3+$0x0], $0xffff  }
0x114: {  	[tilespmem:s29+$0xFFFFFFE0] =	vst v8;
	v34 =	vmul.f32 v34, v37;
	v56 =	vld.idx.msk [tilespmem:v47+s3+$0x0], $0xffff;
	v17 =	vshll.u32 v44, $0x10;
	v44 =	vand.u32 $0xFFFF0000, v44  }
0x115: {  	[tilespmem:s29+$0xFFFFFFC0] =	vst v13;
	v13 =	vld [tilespmem:s28+$0xFFFFFF80];
	v39 =	vand.u32 $0xFFFF, v1;
	v3 =	vadd.f32 v6, v3;
	v6 =	vshrl.u32 v27, $0x10  }
0x116: {  	[tilespmem:s29+$0x40] =	vst v11;
	v11 =	vld [tilespmem:s28+$0xFFFFFF90];
	v27 =	vand.u32 $0xFFFF, v57;
	v33 =	vadd.f32 v38, v33;
	v19 =	vshll.u32 v61, $0x10  }
0x117: {  	[tilespmem:s29+$0xFFFFFFD0] =	vst v10;
	v10 =	vld [tilespmem:s28+$0xFFFFFFA0];
	v35 =	vand.u32 $0xFFFF0000, v61;
	v2 =	vadd.f32 v2, v3;
	v3 =	vmul.f32 v5, v37  }
0x118: {  	[tilespmem:s29+$0x60] =	vst v7;
	v5 =	vshrl.u32 v31, $0x10;
	v31 =	vld.idx.msk [tilespmem:v4+s3+$0x0], $0xffff;
	v4 =	vshrl.u32 v57, $0x10;
	v37 =	vshll.u32 v28, $0x10  }
0x119: {  	v59 =	vld [tilespmem:s28+$0xFFFFFFE0];
	v28 =	vand.u32 $0xFFFF0000, v28;
	v32 =	vadd.f32 v32, v33;
	v33 =	vshll.u32 v23, $0x10  }
0x11a: {  	v23 =	vand.u32 $0xFFFF0000, v23;
	v47 =	vshll.u32 v22, $0x10;
	v22 =	vand.u32 $0xFFFF0000, v22  }
0x11b: {  	v18 =	vshll.u32 v55, $0x10;
	v30 =	vand.u32 $0xFFFF0000, v55;
	v15 =	vshll.u32 v56, $0x10  }
0x11c: {  	v45 =	vand.u32 $0xFFFF0000, v56;
	v7 =	vshll.u32 v13, $0x10;
	v13 =	vand.u32 $0xFFFF0000, v13  }
0x11d: {  	v58 =	vshll.u32 v11, $0x10;
	v11 =	vand.u32 $0xFFFF0000, v11;
	v52 =	vand.u32 $0xFFFF0000, v10  }
0x11e: {  	[tilespmem:s29+$0x50] =	vst v9;
	v9 =	vld [tilespmem:s28+$0xFFFFFFB0];
	v53 =	vshll.u32 v59, $0x10;
	v50 =	vadd.f32 v3, v2;
	v3 =	vshrl.u32 v1, $0x10  }
0x11f: {  	v2 =	vshrl.u32 v24, $0x10;
	v24 =	vand.u32 $0xFFFF, v24;
	v1 =	vshrl.u32 v60, $0x10  }
0x120: {  	v8 =	vld [tilespmem:s28+$0xFFFFFFC0];
	v32 =	vadd.f32 v34, v32;
	v34 =	vshll.u32 v43, $0x10;
	v40 =	vmul.f32 v62, v7  }
0x121: {  	v60 =	vshll.u32 v10, $0x10;
	v7 =	vmul.f32 v25, v7;
	v10 =	vmul.f32 v63, v13  }
0x122: {  	v61 =	vld.idx.msk [tilespmem:v49+s3+$0x0], $0xffff;
	v43 =	vand.u32 $0xFFFF0000, v43;
	v13 =	vmul.f32 v36, v13;
	v19 =	vmul.f32 v19, v52  }
0x123: {  	v25 =	vld.idx.msk [tilespmem:v26+s3+$0x0], $0xffff;
	v26 =	vshll.u32 v9, $0x10;
	v35 =	vmul.f32 v35, v52;
	v23 =	vmul.f32 v23, v60  }
0x124: {  	v21 =	vld.idx.msk [tilespmem:v21+s3+$0x0], $0xffff;
	v9 =	vand.u32 $0xFFFF0000, v9;
	v16 =	vmul.f32 v16, v26;
	v26 =	vmul.f32 v29, v26  }
0x125: {  	v0 =	vld.idx.msk [tilespmem:v0+s3+$0x0], $0xffff;
	v62 =	vshll.u32 v8, $0x10;
	v12 =	vmul.f32 v12, v9;
	v9 =	vmul.f32 v20, v9  }
0x126: {  	v54 =	vld [tilespmem:s28+$0x30];
	v8 =	vand.u32 $0xFFFF0000, v8;
	v18 =	vmul.f32 v18, v62;
	v30 =	vmul.f32 v30, v62  }
0x127: {  	s30 =	sadd.s32 $0x100, s30;
	v57 =	vld [tilespmem:s28+$0xFFFFFFD0];
	v20 =	vand.u32 $0xFFFF0000, v61;
	v41 =	vmul.f32 v14, v8;
	v42 =	vmul.f32 v42, v8  }
0x128: {  	v55 =	vld [tilespmem:s28+$0x40];
	v34 =	vmul.f32 v34, v53;
	v43 =	vmul.f32 v43, v53;
	[tilespmem:s30+$0x70] =	vst v50;
	v50 =	vand.u32 $0xFFFF0000, v59  }
0x129: {  	v56 =	vld [tilespmem:s28+$0x50];
	[tilespmem:s30+$0xFFFFFFF0] =	vst v32;
	v10 =	vadd.f32 v10, v40;
	v32 =	vmul.f32 v37, v11;
	v37 =	vshll.u32 v21, $0x10  }
0x12a: {  	v39 =	vld.idx.msk [tilespmem:v39+s3+$0x0], $0xffff;
	v11 =	vmul.f32 v28, v11;
	v28 =	vmul.f32 v33, v60;
	v21 =	vand.u32 $0xFFFF0000, v21  }
0x12b: {  	v33 =	vld.idx.msk [tilespmem:v48+s3+$0x0], $0xffff;
	v48 =	vshll.u32 v61, $0x10;
	v61 =	vshll.u32 v54, $0x10;
	v38 =	vshll.u32 v31, $0x10  }
0x12c: {  	v52 =	vld [tilespmem:s28+$0x20];
	v31 =	vand.u32 $0xFFFF0000, v31;
	v47 =	vmul.f32 v47, v50;
	v22 =	vmul.f32 v22, v50  }
0x12d: {  	v27 =	vld.idx.msk [tilespmem:v27+s3+$0x0], $0xffff;
	v63 =	vshll.u32 v57, $0x10;
	v38 =	vmul.f32 v38, v58;
	v31 =	vmul.f32 v31, v58  }
0x12e: {  	v40 =	vld [tilespmem:s28+$0x10];
	v46 =	vand.u32 $0xFFFF0000, v57;
	v15 =	vmul.f32 v15, v63;
	v36 =	vmul.f32 v45, v63  }
0x12f: {  	v53 =	vld.idx.msk [tilespmem:v5+s3+$0x0], $0xffff;
	v14 =	vadd.f32 v35, v23;
	v17 =	vmul.f32 v17, v46;
	v44 =	vmul.f32 v44, v46  }
0x130: {  	[tilespmem:$0x1FF70] =	vst v10;
	v10 =	vld [tilespmem:s28+$0x0];
	v63 =	vshll.u32 v56, $0x10;
	v51 =	vshll.u32 v25, $0x10;
	v25 =	vand.u32 $0xFFFF0000, v25  }
0x131: {  	v58 =	vshll.u32 v39, $0x10;
	v39 =	vand.u32 $0xFFFF0000, v39;
	v62 =	vld.idx.msk [tilespmem:v3+s3+$0x0], $0xffff;
	v3 =	vshll.u32 v55, $0x10  }
0x132: {  	v45 =	vld [tilespmem:s28+$0x60];
	v47 =	vadd.f32 v47, v34;
	v49 =	vshll.u32 v27, $0x10;
	v57 =	vand.u32 $0xFFFF0000, v27  }
0x133: {  	v50 =	vld.idx.msk [tilespmem:v4+s3+$0x0], $0xffff;
	v27 =	vshll.u32 v52, $0x10;
	v60 =	vshll.u32 v33, $0x10;
	v33 =	vand.u32 $0xFFFF0000, v33  }
0x134: {  	v46 =	vld.idx.msk [tilespmem:v6+s3+$0x0], $0xffff;
	v4 =	vshll.u32 v40, $0x10;
	v23 =	vmul.f32 v57, v61;
	v57 =	vshll.u32 v0, $0x10  }
0x135: {  	v24 =	vld.idx.msk [tilespmem:v24+s3+$0x0], $0xffff;
	v0 =	vand.u32 $0xFFFF0000, v0;
	v6 =	vshll.u32 v10, $0x10;
	v29 =	vmovc v10;
	v10 =	vadd.f32 v13, v7  }
0x136: {  	v35 =	vand.u32 $0xFFFF0000, v53;
	v7 =	vadd.f32 v32, v38;
	v32 =	vld.idx.msk [tilespmem:v1+s3+$0x0], $0xffff;
	v1 =	vadd.f32 v11, v31  }
0x137: {  	v8 =	vshll.u32 v45, $0x10;
	v13 =	vadd.f32 v19, v28;
	v11 =	vadd.f32 v12, v16  }
0x138: {  	v12 =	vadd.f32 v9, v26;
	v9 =	vadd.f32 v42, v30;
	v26 =	vmul.f32 v49, v61  }
0x139: {  	v61 =	vadd.f32 v22, v43;
	v19 =	vmul.f32 v39, v3;
	v42 =	vshll.u32 v46, $0x10  }
0x13a: {  	v39 =	vshll.u32 v53, $0x10;
	v5 =	vshll.u32 v24, $0x10;
	v37 =	vmul.f32 v37, v6  }
0x13b: {  	v59 =	vand.u32 $0xFFFF0000, v24;
	v38 =	vmul.f32 v21, v6;
	v6 =	vmul.f32 v51, v4  }
0x13c: {  	v51 =	vadd.f32 v41, v18;
	v18 =	vmul.f32 v5, v63;
	v16 =	vmul.f32 v59, v63;
	v63 =	vld [tilespmem:$0x1FF70]  }
0x13d: {  	v2 =	vld.idx.msk [tilespmem:v2+s3+$0x0], $0xffff;
	v31 =	vshll.u32 v50, $0x10;
	v30 =	vand.u32 $0xFFFF0000, v50;
	v4 =	vmul.f32 v25, v4  }
0x13e: {  	v43 =	vand.u32 $0xFFFF0000, v52;
	v24 =	vmul.f32 v48, v27;
	v27 =	vmul.f32 v20, v27  }
0x13f: {  	v48 =	vadd.f32 v17, v15;
	v20 =	vmul.f32 v58, v3;
	v3 =	vmul.f32 v33, v8  }
0x140: {  	s31 =	sadd.s32 $0x8, s31;
	v41 =	vand.u32 $0xFFFF0000, v46;
	[tilespmem:$0x1FF80] =	vst v7;
	v5 =	vmul.f32 v60, v8;
	v8 =	vand.u32 $0xFFFF0000, v29  }
0x141: {  	p1 =	slt.u32 s31, $0xF8;
	v7 =	vadd.f32 v44, v36;
	v36 =	vadd.f32 v37, v63;
	v37 =	vmul.f32 v0, v8;
	v0 =	vld [tilespmem:$0x1FF80]  }
.Ltmp12:
0x142: {  	v28 =	vshll.u32 v62, $0x10;
	v25 =	vand.u32 $0xFFFF0000, v62;
	v22 =	vshll.u32 v2, $0x10;
	(pc) =	sbr.rel @p1 .LBB2_23-.Ltmp12, $4  }
0x143: {  	v21 =	vand.u32 $0xFFFF0000, v2;
	v17 =	vand.u32 $0xFFFF0000, v45;
	v44 =	vand.u32 $0xFFFF0000, v40  }
0x144: {  	v40 =	vand.u32 $0xFFFF0000, v54;
	v29 =	vand.u32 $0xFFFF0000, v56;
	v33 =	vadd.f32 v38, v10  }
0x145: {  	v38 =	vmul.f32 v57, v8;
	v15 =	vshll.u32 v32, $0x10;
	v2 =	vand.u32 $0xFFFF0000, v32  }
0x146: {  	s0 =	sadd.s32 $0x100, s0;
	s29 =	smov.u32 s30;
	v32 =	vand.u32 $0xFFFF0000, v55;
	v34 =	vadd.f32 v6, v0;
	v0 =	vadd.f32 v4, v1  }
0x147: {  	v1 =	vmul.f32 v42, v44;
	v4 =	vadd.f32 v38, v36  }
0x148: {  	v6 =	vmul.f32 v41, v44;
	v8 =	vadd.f32 v37, v33  }
0x149: {  	v10 =	vadd.f32 v24, v13;
	v41 =	vmul.f32 v39, v43;
	[tilespmem:s30+$0xFFFFFF80] =	vst v4;
	v1 =	vadd.f32 v1, v34  }
0x14a: {  	v42 =	vadd.f32 v27, v14;
	v43 =	vmul.f32 v35, v43;
	v0 =	vadd.f32 v6, v0;
	[tilespmem:s30+$0x0] =	vst v8  }
0x14b: {  	v44 =	vadd.f32 v26, v11;
	v45 =	vmul.f32 v31, v40;
	v10 =	vadd.f32 v41, v10;
	[tilespmem:s30+$0xFFFFFF90] =	vst v1  }
0x14c: {  	v52 =	vadd.f32 v19, v9;
	v53 =	vmul.f32 v25, v32;
	v4 =	vadd.f32 v43, v42;
	[tilespmem:s30+$0x10] =	vst v0  }
0x14d: {  	v54 =	vadd.f32 v18, v48;
	v55 =	vmul.f32 v22, v29;
	v6 =	vadd.f32 v45, v44;
	[tilespmem:s30+$0xFFFFFFA0] =	vst v10  }
0x14e: {  	v56 =	vadd.f32 v16, v7;
	v57 =	vmul.f32 v21, v29;
	v58 =	vadd.f32 v53, v52;
	[tilespmem:s30+$0x20] =	vst v4  }
0x14f: {  	v5 =	vadd.f32 v5, v47;
	v59 =	vmul.f32 v15, v17;
	v60 =	vadd.f32 v55, v54;
	[tilespmem:s30+$0xFFFFFFB0] =	vst v6  }
0x150: {  	v3 =	vadd.f32 v3, v61;
	v2 =	vmul.f32 v2, v17;
	v61 =	vadd.f32 v57, v56;
	[tilespmem:s29+$0x40] =	vst v58  }
0x151: {  	v46 =	vadd.f32 v23, v12;
	v49 =	vmul.f32 v30, v40;
	v62 =	vadd.f32 v59, v5;
	[tilespmem:s29+$0xFFFFFFD0] =	vst v60  }
0x152: {  	v50 =	vadd.f32 v20, v51;
	v51 =	vmul.f32 v28, v32;
	p1 =	seq.s32 s25, $0xF;
	v63 =	vadd.f32 v2, v3;
	[tilespmem:s29+$0x50] =	vst v61  }
.Ltmp13:
0x153: {  	s0 =	sshll.u32 s25, $0x10;
	v1 =	vadd.f32 v49, v46;
	[tilespmem:s29+$0xFFFFFFE0] =	vst v62;
	(pc) =	sbr.rel @p1 .LBB2_34-.Ltmp13, $4  }
0x154: {  	s0 =	sor.u32 s0, s13;
	v0 =	vadd.f32 v51, v50;
	[tilespmem:s29+$0x60] =	vst v63  }
0x155: {  	s28 =	sshrl.u32 s0, $0x3;
	[tilespmem:s29+$0x30] =	vst v1  }
0x156: {  	s0 =	sadd.s32 s7, s28;
	[tilespmem:s29+$0xFFFFFFC0] =	vst v0  }
0x157: {  	[hbm4b:s0+s15] =	stream.strided.scatter [tilespmem:s17], [sflag:$0x3], $0x2000, s16, s15, $0x38;
	[tilespmem:$0x1C000] =	vst v63  }
0x158: {  	s0 =	sadd.s32 $0x400, s26  }
0x159: {  	s14 =	simm.s32 $0x10000;
	s1 =	sadd.s32 s4, s0  }
0x15a: {  	s22 =	simm.s32 $0x10;
	s23 =	simm.s32 $0x10100;
	s29 =	sadd.s32 $0x0, s1  }
.LBB2_26:
0x15b: {  	[tilespmem:s14], [sflag:$0x1] =	stream.linear.gather [hbm4b:s29+s3], $0x80, $0x38;
	[tilespmem:$0x1C000] =	vst v63  }
0x15c: {  	s2 =	smov.u32 s22;
	s14 =	smov.u32 s23;
	p2 =	sne.s32 s22, $0x1F0  }
.Ltmp14:
0x15d: {  	s22 =	sadd.s32 $0x10, s22;
	(pc) =	sbr.rel @p2 .LBB2_26-.Ltmp14, $2  }
0x15e: {  	_ =	sdelay $0x2  }
0x15f: {  	s23 =	sadd.s32 $0x100, s23;
	s29 =	sadd.s32 s2, s1  }
0x160: {  	[tilespmem:s14], [sflag:$0x1] =	stream.linear.gather [hbm4b:s29+s3], $0x80, $0x38;
	[tilespmem:$0x1C000] =	vst v63  }
0x161: {  	s1 =	sadd.s32 s8, s0;
	s14 =	simm.s32 $0x10080  }
0x162: {  	s22 =	simm.s32 $0x10;
	s23 =	simm.s32 $0x10180;
	s29 =	sadd.s32 $0x0, s1  }
.LBB2_28:
0x163: {  	[tilespmem:s14], [sflag:$0x1] =	stream.linear.gather [hbm4b:s29+s3], $0x80, $0x38;
	[tilespmem:$0x1C000] =	vst v63  }
0x164: {  	s2 =	smov.u32 s22;
	s14 =	smov.u32 s23;
	p2 =	sne.s32 s22, $0x1F0  }
.Ltmp15:
0x165: {  	s22 =	sadd.s32 $0x10, s22;
	(pc) =	sbr.rel @p2 .LBB2_28-.Ltmp15, $2  }
0x166: {  	_ =	sdelay $0x2  }
0x167: {  	s23 =	sadd.s32 $0x100, s23;
	s29 =	sadd.s32 s2, s1  }
0x168: {  	[tilespmem:s14], [sflag:$0x1] =	stream.linear.gather [hbm4b:s29+s3], $0x80, $0x38;
	[tilespmem:$0x1C000] =	vst v63  }
0x169: {  	s1 =	sadd.s32 s5, s0;
	s14 =	simm.s32 $0x14000  }
0x16a: {  	s22 =	simm.s32 $0x10;
	s23 =	simm.s32 $0x14100;
	s29 =	sadd.s32 $0x0, s1  }
.LBB2_30:
0x16b: {  	[tilespmem:s14], [sflag:$0x1] =	stream.linear.gather [hbm4b:s29+s3], $0x80, $0x38;
	[tilespmem:$0x1C000] =	vst v63  }
0x16c: {  	s2 =	smov.u32 s22;
	s14 =	smov.u32 s23;
	p2 =	sne.s32 s22, $0x1F0  }
.Ltmp16:
0x16d: {  	s22 =	sadd.s32 $0x10, s22;
	(pc) =	sbr.rel @p2 .LBB2_30-.Ltmp16, $2  }
0x16e: {  	_ =	sdelay $0x2  }
0x16f: {  	s23 =	sadd.s32 $0x100, s23;
	s29 =	sadd.s32 s2, s1  }
0x170: {  	[tilespmem:s14], [sflag:$0x1] =	stream.linear.gather [hbm4b:s29+s3], $0x80, $0x38;
	[tilespmem:$0x1C000] =	vst v63  }
0x171: {  	s0 =	sadd.s32 s6, s0;
	s1 =	simm.s32 $0x14080  }
0x172: {  	s14 =	simm.s32 $0x10;
	s22 =	simm.s32 $0x14180;
	s23 =	sadd.s32 $0x0, s0  }
.LBB2_32:
0x173: {  	[tilespmem:s1], [sflag:$0x1] =	stream.linear.gather [hbm4b:s23+s3], $0x80, $0x38;
	[tilespmem:$0x1C000] =	vst v63  }
0x174: {  	s2 =	smov.u32 s14;
	s1 =	smov.u32 s22;
	p2 =	sne.s32 s14, $0x1F0  }
.Ltmp17:
0x175: {  	s14 =	sadd.s32 $0x10, s14;
	(pc) =	sbr.rel @p2 .LBB2_32-.Ltmp17, $2  }
0x176: {  	_ =	sdelay $0x2  }
0x177: {  	s22 =	sadd.s32 $0x100, s22;
	s23 =	sadd.s32 s2, s0  }
0x178: {  	[tilespmem:s1], [sflag:$0x1] =	stream.linear.gather [hbm4b:s23+s3], $0x80, $0x38;
	[tilespmem:$0x1C000] =	vst v63  }
.LBB2_34:
0x179: {  	_ =	swait.ge [sflag:s20], $0x1000  }
0x17a: {  	[sflag:s20] =	ssyncset.done $0x0  }
0x17b: {  	[sflag:s20] =	ssyncadd.s32 $0xFFFFF000  }
0x17c: {  	_ =	swait.ge [sflag:s20], $0x1000  }
0x17d: {  	[sflag:s20] =	ssyncset.done $0x0  }
0x17e: {  	[sflag:s20] =	ssyncadd.s32 $0xFFFFF000  }
0x17f: {  	_ =	swait.ge [sflag:s20], $0x1000  }
0x180: {  	[sflag:s20] =	ssyncset.done $0x0  }
0x181: {  	[sflag:s20] =	ssyncadd.s32 $0xFFFFF000  }
0x182: {  	_ =	swait.ge [sflag:s20], $0x1000  }
0x183: {  	[sflag:s20] =	ssyncset.done $0x0  }
0x184: {  	s0 =	simm.s32 @!p0 $0x4;
	[sflag:s20] =	ssyncadd.s32 $0xFFFFF000  }
0x185: {  	_ =	swait.ge @!p0 [sflag:s0], $0x2000  }
0x186: {  	[sflag:s0] =	ssyncset.done @!p0 $0x0  }
0x187: {  	s24 =	simm.s32 $0x120F0;
	[sflag:s0] =	ssyncadd.s32 @!p0 $0xFFFFE000  }
0x188: {  	v0 =	vld [tilespmem:s24+$0xFFFFFF80]  }
0x189: {  	v1 =	vld [tilespmem:s24+$0xFFFFFF20]  }
0x18a: {  	v2 =	vld [tilespmem:s24+$0xFFFFFF30]  }
0x18b: {  	v3 =	vld [tilespmem:s24+$0x0]  }
0x18c: {  	v4 =	vld [tilespmem:s24+$0xFFFFFF40]  }
0x18d: {  	v5 =	vld [tilespmem:s24+$0xFFFFFF50]  }
0x18e: {  	v7 =	vld [tilespmem:s24+$0xFFFFFF60]  }
0x18f: {  	v8 =	vld [tilespmem:s24+$0xFFFFFF70];
	v6 =	vand.u32 $0xFFFF, v0  }
0x190: {  	s29 =	simm.s32 $0x160F0;
	v9 =	vld [tilespmem:s24+$0xFFFFFF10];
	v0 =	vshrl.u32 v0, $0x10  }
0x191: {  	v11 =	vld [tilespmem:s29+$0xFFFFFF80]  }
0x192: {  	v12 =	vld [tilespmem:s24+$0xFFFFFF90];
	v10 =	vand.u32 $0xFFFF, v3  }
0x193: {  	v15 =	vld [tilespmem:s29+$0x0]  }
0x194: {  	v3 =	vshrl.u32 v3, $0x10;
	v6 =	vld.idx.msk [tilespmem:v6+s3+$0x0], $0xffff  }
0x195: {  	v0 =	vld.idx.msk [tilespmem:v0+s3+$0x0], $0xffff  }
0x196: {  	v27 =	vld [tilespmem:s24+$0xFFFFFFD0];
	v13 =	vshrl.u32 v1, $0x10;
	v14 =	vand.u32 $0xFFFF, v1;
	v17 =	vshrl.u32 v4, $0x10  }
0x197: {  	v19 =	vand.u32 $0xFFFF, v4;
	v20 =	vshrl.u32 v5, $0x10;
	v21 =	vand.u32 $0xFFFF, v5;
	v10 =	vld.idx.msk [tilespmem:v10+s3+$0x0], $0xffff  }
0x198: {  	v29 =	vld [tilespmem:s24+$0xFFFFFFE0];
	v22 =	vshrl.u32 v7, $0x10;
	v23 =	vand.u32 $0xFFFF, v7;
	v4 =	vand.u32 $0xFFFF, v9  }
0x199: {  	v7 =	vshrl.u32 v9, $0x10;
	v25 =	vshll.u32 v11, $0x10;
	v11 =	vand.u32 $0xFFFF0000, v11;
	v18 =	vld.idx.msk [tilespmem:v3+s3+$0x0], $0xffff  }
0x19a: {  	v5 =	vld [tilespmem:s24+$0xFFFFFFB0];
	v26 =	vshll.u32 v6, $0x10;
	v1 =	vand.u32 $0xFFFF0000, v6;
	v6 =	vand.u32 $0xFFFF0000, v0  }
0x19b: {  	v9 =	vld [tilespmem:s24+$0xFFFFFFC0];
	v30 =	vmul.f32 v1, v25;
	v6 =	vmul.f32 v6, v11;
	v1 =	vshrl.u32 v12, $0x10  }
0x19c: {  	v16 =	vshrl.u32 v2, $0x10;
	v31 =	vshll.u32 v15, $0x10;
	v3 =	vld [tilespmem:s24+$0xFFFFFFA0];
	v32 =	vand.u32 $0xFFFF0000, v10;
	[tilespmem:$0x1FF00] =	vst v1  }
0x19d: {  	v33 =	vshll.u32 v0, $0x10;
	v34 =	vld.idx.msk [tilespmem:v4+s3+$0x0], $0xffff;
	v0 =	vadd.f32 v6, v30;
	v4 =	vmul.f32 v32, v31  }
0x19e: {  	v2 =	vand.u32 $0xFFFF, v2;
	v15 =	vand.u32 $0xFFFF0000, v15;
	v6 =	vand.u32 $0xFFFF0000, v18  }
0x19f: {  	v28 =	vand.u32 $0xFFFF, v12;
	v12 =	vld [tilespmem:s24+$0xFFFFFFF0];
	v36 =	vmul.f32 v6, v15;
	v0 =	vadd.f32 v4, v0  }
0x1a0: {  	v61 =	vld.idx.msk [tilespmem:v7+s3+$0x0], $0xffff  }
0x1a1: {  	v14 =	vld.idx.msk [tilespmem:v14+s3+$0x0], $0xffff;
	v0 =	vadd.f32 v36, v0  }
0x1a2: {  	v13 =	vld.idx.msk [tilespmem:v13+s3+$0x0], $0xffff  }
0x1a3: {  	v37 =	vand.u32 $0xFFFF, v9;
	v4 =	vshrl.u32 v9, $0x10;
	v9 =	vld.idx.msk [tilespmem:v2+s3+$0x0], $0xffff;
	[tilespmem:$0x1FF10] =	vst v0  }
0x1a4: {  	v16 =	vld.idx.msk [tilespmem:v16+s3+$0x0], $0xffff  }
0x1a5: {  	v19 =	vld.idx.msk [tilespmem:v19+s3+$0x0], $0xffff  }
0x1a6: {  	v24 =	vshrl.u32 v8, $0x10;
	v8 =	vand.u32 $0xFFFF, v8;
	v17 =	vld.idx.msk [tilespmem:v17+s3+$0x0], $0xffff  }
0x1a7: {  	v38 =	vand.u32 $0xFFFF, v27;
	v21 =	vld.idx.msk [tilespmem:v21+s3+$0x0], $0xffff  }
0x1a8: {  	v10 =	vshll.u32 v10, $0x10;
	v25 =	vmul.f32 v26, v25;
	v11 =	vmul.f32 v33, v11;
	v20 =	vld.idx.msk [tilespmem:v20+s3+$0x0], $0xffff  }
0x1a9: {  	v35 =	vand.u32 $0xFFFF, v5;
	v10 =	vmul.f32 v10, v31;
	v1 =	vshrl.u32 v5, $0x10;
	v23 =	vld.idx.msk [tilespmem:v23+s3+$0x0], $0xffff  }
0x1aa: {  	v5 =	vshrl.u32 v27, $0x10;
	v27 =	vand.u32 $0xFFFF, v29;
	v11 =	vadd.f32 v11, v25;
	v22 =	vld.idx.msk [tilespmem:v22+s3+$0x0], $0xffff  }
0x1ab: {  	v30 =	vand.u32 $0xFFFF, v3;
	v7 =	vshrl.u32 v3, $0x10;
	v18 =	vshll.u32 v18, $0x10;
	v8 =	vld.idx.msk [tilespmem:v8+s3+$0x0], $0xffff  }
0x1ac: {  	v3 =	vshrl.u32 v29, $0x10;
	v15 =	vmul.f32 v18, v15;
	v10 =	vadd.f32 v10, v11;
	v24 =	vld.idx.msk [tilespmem:v24+s3+$0x0], $0xffff  }
0x1ad: {  	v2 =	vshrl.u32 v12, $0x10;
	v12 =	vand.u32 $0xFFFF, v12;
	v26 =	vshll.u32 v34, $0x10;
	v39 =	vld [tilespmem:s29+$0xFFFFFF10]  }
0x1ae: {  	v29 =	vand.u32 $0xFFFF0000, v34;
	v31 =	vshll.u32 v61, $0x10;
	v0 =	vadd.f32 v15, v10;
	v41 =	vld [tilespmem:s29+$0xFFFFFF20]  }
0x1af: {  	v32 =	vand.u32 $0xFFFF0000, v61;
	v25 =	vshll.u32 v14, $0x10;
	v14 =	vand.u32 $0xFFFF0000, v14;
	v43 =	vld [tilespmem:s29+$0xFFFFFF30]  }
0x1b0: {  	v18 =	vshll.u32 v13, $0x10;
	v13 =	vand.u32 $0xFFFF0000, v13;
	v45 =	vld [tilespmem:s29+$0xFFFFFF40];
	[tilespmem:$0x1FF40] =	vst v0;
	v62 =	vshll.u32 v16, $0x10  }
0x1b1: {  	v15 =	vld [tilespmem:s29+$0xFFFFFF50];
	v16 =	vand.u32 $0xFFFF0000, v16;
	v63 =	vshll.u32 v19, $0x10;
	v57 =	vshll.u32 v17, $0x10  }
0x1b2: {  	v49 =	vld [tilespmem:s29+$0xFFFFFF60];
	v17 =	vand.u32 $0xFFFF0000, v17;
	v48 =	vshll.u32 v39, $0x10;
	v39 =	vand.u32 $0xFFFF0000, v39  }
0x1b3: {  	v52 =	vld [tilespmem:s29+$0xFFFFFF70];
	v40 =	vshll.u32 v21, $0x10;
	v26 =	vmul.f32 v26, v48;
	v31 =	vmul.f32 v31, v39  }
0x1b4: {  	v28 =	vld.idx.msk [tilespmem:v28+s3+$0x0], $0xffff;
	v21 =	vand.u32 $0xFFFF0000, v21;
	v42 =	vshll.u32 v20, $0x10;
	v20 =	vand.u32 $0xFFFF0000, v20  }
0x1b5: {  	v30 =	vld.idx.msk [tilespmem:v30+s3+$0x0], $0xffff;
	v44 =	vshll.u32 v23, $0x10;
	v23 =	vand.u32 $0xFFFF0000, v23;
	v0 =	vadd.f32 v31, v26  }
0x1b6: {  	v35 =	vld.idx.msk [tilespmem:v35+s3+$0x0], $0xffff;
	v46 =	vshll.u32 v22, $0x10;
	v51 =	vshll.u32 v41, $0x10;
	v41 =	vand.u32 $0xFFFF0000, v41  }
0x1b7: {  	v37 =	vld.idx.msk [tilespmem:v37+s3+$0x0], $0xffff;
	v53 =	vshll.u32 v43, $0x10;
	v29 =	vmul.f32 v29, v48;
	v32 =	vmul.f32 v32, v39;
	[tilespmem:$0x1FF20] =	vst v0  }
0x1b8: {  	v43 =	vand.u32 $0xFFFF0000, v43;
	v25 =	vmul.f32 v25, v51;
	v14 =	vmul.f32 v14, v51;
	v26 =	vld.idx.msk [tilespmem:v38+s3+$0x0], $0xffff  }
0x1b9: {  	v58 =	vshll.u32 v45, $0x10;
	v18 =	vmul.f32 v18, v41;
	v13 =	vmul.f32 v13, v41;
	v27 =	vld.idx.msk [tilespmem:v27+s3+$0x0], $0xffff  }
0x1ba: {  	v45 =	vand.u32 $0xFFFF0000, v45;
	v33 =	vmul.f32 v62, v43;
	v16 =	vmul.f32 v16, v43;
	v12 =	vld.idx.msk [tilespmem:v12+s3+$0x0], $0xffff  }
0x1bb: {  	v22 =	vand.u32 $0xFFFF0000, v22;
	v34 =	vmul.f32 v63, v58;
	v36 =	vmul.f32 v57, v45;
	v43 =	vld [tilespmem:s29+$0xFFFFFF90]  }
0x1bc: {  	v17 =	vmul.f32 v17, v45;
	v54 =	vshll.u32 v15, $0x10;
	v15 =	vand.u32 $0xFFFF0000, v15;
	v0 =	vld [tilespmem:s29+$0xFFFFFFA0]  }
0x1bd: {  	v59 =	vshll.u32 v49, $0x10;
	v40 =	vmul.f32 v40, v54;
	v21 =	vmul.f32 v21, v54;
	v54 =	vld [tilespmem:s29+$0xFFFFFFD0]  }
0x1be: {  	v49 =	vand.u32 $0xFFFF0000, v49;
	v42 =	vmul.f32 v42, v15;
	v15 =	vmul.f32 v20, v15;
	v45 =	vld [tilespmem:s29+$0xFFFFFFB0]  }
0x1bf: {  	v20 =	vmul.f32 v44, v59;
	v39 =	vmul.f32 v46, v49;
	v6 =	vadd.f32 v32, v29;
	v63 =	vld [tilespmem:s29+$0xFFFFFFC0]  }
0x1c0: {  	v23 =	vmul.f32 v23, v59;
	v22 =	vmul.f32 v22, v49;
	v46 =	vld [tilespmem:s29+$0xFFFFFFE0]  }
0x1c1: {  	v48 =	vadd.f32 v39, v20;
	v49 =	vld [tilespmem:s29+$0xFFFFFFF0];
	[tilespmem:$0x1FF30] =	vst v6;
	v6 =	vadd.f32 v18, v25;
	v44 =	vshll.u32 v26, $0x10  }
0x1c2: {  	v59 =	vshll.u32 v12, $0x10;
	v60 =	vand.u32 $0xFFFF0000, v12;
	v62 =	vshll.u32 v54, $0x10  }
0x1c3: {  	v12 =	vshll.u32 v0, $0x10;
	v20 =	vmul.f32 v44, v62;
	v44 =	vand.u32 $0xFFFF0000, v0;
	v0 =	vld [tilespmem:$0x1FF10];
	_ =	sdelay $0x1  }
0x1c4: {  	[tilespmem:$0x1FF50] =	vst v6;
	v6 =	vadd.f32 v13, v14;
	_ =	sdelay $0x1  }
0x1c5: {  	s31 =	simm.s32 $0x1A0F0;
	[tilespmem:$0x1FF60] =	vst v6  }
0x1c6: {  	v6 =	vld [tilespmem:$0x1FF00];
	[tilespmem:s31+$0x0] =	vst v0  }
0x1c7: {  	v11 =	vshll.u32 v9, $0x10;
	v47 =	vshll.u32 v8, $0x10;
	v8 =	vand.u32 $0xFFFF0000, v8;
	v0 =	vld [tilespmem:$0x1FF20]  }
0x1c8: {  	v11 =	vmul.f32 v11, v53;
	v55 =	vshll.u32 v52, $0x10;
	v31 =	vshll.u32 v28, $0x10  }
0x1c9: {  	v47 =	vmul.f32 v47, v55;
	v55 =	vmul.f32 v8, v55;
	v8 =	vshll.u32 v43, $0x10  }
0x1ca: {  	v9 =	vand.u32 $0xFFFF0000, v9;
	v56 =	vmul.f32 v31, v8  }
0x1cb: {  	v19 =	vand.u32 $0xFFFF0000, v19;
	v50 =	vshll.u32 v24, $0x10;
	v13 =	vadd.f32 v33, v11  }
0x1cc: {  	v24 =	vand.u32 $0xFFFF0000, v24;
	v11 =	vadd.f32 v36, v34;
	v36 =	vadd.f32 v56, v0;
	v0 =	vld [tilespmem:$0x1FF30]  }
0x1cd: {  	v9 =	vmul.f32 v9, v53;
	v19 =	vmul.f32 v19, v58;
	v52 =	vand.u32 $0xFFFF0000, v52  }
0x1ce: {  	v41 =	vshll.u32 v35, $0x10;
	v35 =	vand.u32 $0xFFFF0000, v35;
	v28 =	vand.u32 $0xFFFF0000, v28  }
0x1cf: {  	v53 =	vshll.u32 v37, $0x10;
	v37 =	vand.u32 $0xFFFF0000, v37;
	v10 =	vmul.f32 v28, v8  }
0x1d0: {  	v51 =	vadd.f32 v42, v40;
	v38 =	vshll.u32 v30, $0x10;
	v14 =	vadd.f32 v16, v9  }
0x1d1: {  	v30 =	vand.u32 $0xFFFF0000, v30;
	v9 =	vadd.f32 v15, v21;
	v33 =	vadd.f32 v10, v0;
	v0 =	vld [tilespmem:$0x1FF40]  }
0x1d2: {  	v57 =	vand.u32 $0xFFFF0000, v26;
	v26 =	vmul.f32 v50, v52;
	v50 =	vshll.u32 v27, $0x10  }
0x1d3: {  	v58 =	vand.u32 $0xFFFF0000, v27;
	v52 =	vmul.f32 v24, v52;
	v27 =	vshll.u32 v45, $0x10;
	v15 =	vld.idx.msk [tilespmem:v4+s3+$0x0], $0xffff  }
0x1d4: {  	v61 =	vshll.u32 v63, $0x10;
	v29 =	vshll.u32 v46, $0x10;
	v25 =	vshll.u32 v49, $0x10;
	v21 =	vld.idx.msk [tilespmem:v5+s3+$0x0], $0xffff  }
0x1d5: {  	v40 =	vand.u32 $0xFFFF0000, v63;
	v8 =	vmul.f32 v38, v12;
	v28 =	vld.idx.msk [tilespmem:v7+s3+$0x0], $0xffff;
	v24 =	vmul.f32 v41, v27  }
0x1d6: {  	v32 =	vand.u32 $0xFFFF0000, v54;
	v47 =	vadd.f32 v26, v47;
	v26 =	vmul.f32 v53, v61;
	v53 =	vld.idx.msk [tilespmem:v3+s3+$0x0], $0xffff;
	[tilespmem:s31+$0xFFFFFF80] =	vst v0  }
0x1d7: {  	v27 =	vmul.f32 v35, v27;
	v7 =	vadd.f32 v22, v23;
	v23 =	vmul.f32 v37, v61;
	v0 =	vld [tilespmem:$0x1FF50]  }
0x1d8: {  	v2 =	vld.idx.msk [tilespmem:v2+s3+$0x0], $0xffff;
	v16 =	vmul.f32 v58, v29;
	v5 =	vmul.f32 v59, v25;
	v61 =	vadd.f32 v52, v55  }
0x1d9: {  	v3 =	vmul.f32 v60, v25;
	v31 =	vshll.u32 v15, $0x10;
	v25 =	vand.u32 $0xFFFF0000, v21;
	v18 =	vld.idx.msk [tilespmem:v6+s3+$0x0], $0xffff  }
0x1da: {  	v42 =	vshll.u32 v28, $0x10;
	v6 =	vmul.f32 v30, v12;
	v12 =	vadd.f32 v17, v19;
	v17 =	vld.idx.msk [tilespmem:v1+s3+$0x0], $0xffff  }
0x1db: {  	v41 =	vand.u32 $0xFFFF0000, v28;
	v28 =	vshll.u32 v21, $0x10;
	v19 =	vmul.f32 v57, v62  }
0x1dc: {  	v30 =	vand.u32 $0xFFFF0000, v15;
	v22 =	vshll.u32 v53, $0x10;
	v34 =	vadd.f32 v8, v0;
	v0 =	vld [tilespmem:$0x1FF60]  }
0x1dd: {  	v21 =	vand.u32 $0xFFFF0000, v53;
	v1 =	vand.u32 $0xFFFF0000, v43;
	v15 =	vshll.u32 v2, $0x10  }
0x1de: {  	v2 =	vand.u32 $0xFFFF0000, v2;
	v43 =	vand.u32 $0xFFFF0000, v45;
	v55 =	vshll.u32 v18, $0x10  }
0x1df: {  	v62 =	vand.u32 $0xFFFF0000, v18;
	v18 =	vmul.f32 v50, v29;
	v39 =	vshll.u32 v17, $0x10  }
0x1e0: {  	v35 =	vand.u32 $0xFFFF0000, v17;
	v29 =	vand.u32 $0xFFFF0000, v46;
	v17 =	vand.u32 $0xFFFF0000, v49  }
0x1e1: {  	s1 =	simm.s32 $0x121F0;
	s30 =	simm.s32 $0x1A0F0;
	s0 =	simm.s32 $0x0;
	v38 =	vmul.f32 v55, v1;
	v37 =	vmul.f32 v62, v1;
	v0 =	vadd.f32 v6, v0  }
.LBB2_35:
0x1e2: {  	v45 =	vld [tilespmem:s1+$0xFFFFFF80]  }
0x1e3: {  	v27 =	vadd.f32 v27, v14;
	v14 =	vld [tilespmem:s1+$0xFFFFFF20]  }
0x1e4: {  	v60 =	vld [tilespmem:s1+$0x0]  }
0x1e5: {  	v6 =	vld [tilespmem:s1+$0xFFFFFF40]  }
0x1e6: {  	v24 =	vadd.f32 v24, v13;
	v41 =	vmul.f32 v41, v44;
	v1 =	vld [tilespmem:s1+$0xFFFFFF50]  }
0x1e7: {  	v13 =	vadd.f32 v20, v51;
	v20 =	vmul.f32 v25, v32;
	v25 =	vld [tilespmem:s1+$0xFFFFFF10];
	v15 =	vmul.f32 v15, v17  }
0x1e8: {  	v17 =	vmul.f32 v2, v17;
	v2 =	vld [tilespmem:s1+$0xFFFFFF90];
	v26 =	vadd.f32 v26, v11;
	v12 =	vadd.f32 v23, v12  }
0x1e9: {  	v31 =	vmul.f32 v31, v40;
	v57 =	vld [tilespmem:s1+$0xFFFFFFC0];
	v11 =	vadd.f32 v19, v9;
	v10 =	vadd.f32 v18, v48  }
0x1ea: {  	v23 =	vld [tilespmem:s1+$0xFFFFFF30];
	v9 =	vadd.f32 v16, v7;
	v8 =	vadd.f32 v5, v47;
	v19 =	vmul.f32 v30, v40  }
0x1eb: {  	v7 =	vadd.f32 v3, v61;
	v16 =	vmul.f32 v28, v32;
	v5 =	vld [tilespmem:s1+$0xFFFFFF60];
	v18 =	vmul.f32 v22, v29  }
0x1ec: {  	s29 =	sadd.s32 $0x100, s29;
	v61 =	vld [tilespmem:s1+$0xFFFFFF70];
	v26 =	vadd.f32 v31, v26;
	v3 =	vand.u32 $0xFFFF, v45;
	v28 =	vshrl.u32 v14, $0x10  }
0x1ed: {  	v52 =	vld [tilespmem:s29+$0x0];
	v4 =	vand.u32 $0xFFFF, v14;
	v30 =	vshrl.u32 v45, $0x10;
	v62 =	vand.u32 $0xFFFF, v60  }
0x1ee: {  	v31 =	vld [tilespmem:s1+$0xFFFFFFB0];
	v14 =	vmul.f32 v21, v29;
	v22 =	vshrl.u32 v6, $0x10;
	v29 =	vand.u32 $0xFFFF, v6  }
0x1ef: {  	v6 =	vld [tilespmem:s29+$0xFFFFFF80];
	v45 =	vshrl.u32 v1, $0x10;
	v46 =	vand.u32 $0xFFFF, v1;
	v1 =	vshrl.u32 v60, $0x10  }
0x1f0: {  	v42 =	vmul.f32 v42, v44;
	v39 =	vmul.f32 v39, v43;
	v33 =	vadd.f32 v37, v33;
	v60 =	vld [tilespmem:s1+$0xFFFFFFF0]  }
0x1f1: {  	v0 =	vadd.f32 v41, v0;
	v63 =	vshrl.u32 v25, $0x10;
	v25 =	vand.u32 $0xFFFF, v25;
	v3 =	vld.idx.msk [tilespmem:v3+s3+$0x0], $0xffff  }
0x1f2: {  	v12 =	vadd.f32 v19, v12;
	v44 =	vshrl.u32 v5, $0x10;
	v47 =	vand.u32 $0xFFFF, v5;
	v5 =	vld.idx.msk [tilespmem:v30+s3+$0x0], $0xffff  }
0x1f3: {  	v35 =	vmul.f32 v35, v43;
	v13 =	vadd.f32 v16, v13;
	v21 =	vadd.f32 v38, v36;
	v32 =	vld.idx.msk [tilespmem:v62+s3+$0x0], $0xffff  }
0x1f4: {  	[tilespmem:s31+$0xFFFFFF90] =	vst v33;
	v11 =	vadd.f32 v20, v11;
	v10 =	vadd.f32 v18, v10;
	v53 =	vld.idx.msk [tilespmem:v1+s3+$0x0], $0xffff  }
0x1f5: {  	[tilespmem:s31+$0xFFFFFF10] =	vst v21;
	v1 =	vadd.f32 v39, v24;
	v24 =	vadd.f32 v35, v27;
	v27 =	vld [tilespmem:s1+$0xFFFFFFA0]  }
0x1f6: {  	v8 =	vadd.f32 v15, v8;
	v7 =	vadd.f32 v17, v7;
	v25 =	vld.idx.msk [tilespmem:v25+s3+$0x0], $0xffff  }
0x1f7: {  	[tilespmem:s31+$0xFFFFFF40] =	vst v26;
	v40 =	vshrl.u32 v23, $0x10;
	v23 =	vand.u32 $0xFFFF, v23;
	v21 =	vadd.f32 v42, v34;
	v36 =	vld.idx.msk [tilespmem:v63+s3+$0x0], $0xffff  }
0x1f8: {  	v43 =	vand.u32 $0xFFFF, v61;
	v58 =	vshll.u32 v52, $0x10;
	v37 =	vand.u32 $0xFFFF0000, v52;
	v29 =	vld.idx.msk [tilespmem:v29+s3+$0x0], $0xffff  }
0x1f9: {  	v9 =	vadd.f32 v14, v9;
	v49 =	vand.u32 $0xFFFF, v31;
	v30 =	vshrl.u32 v61, $0x10;
	[tilespmem:s31+$0xFFFFFF20] =	vst v21;
	v22 =	vld.idx.msk [tilespmem:v22+s3+$0x0], $0xffff  }
0x1fa: {  	v54 =	vshll.u32 v6, $0x10;
	v56 =	vand.u32 $0xFFFF0000, v6;
	[tilespmem:s31+$0xFFFFFFA0] =	vst v0;
	v21 =	vand.u32 $0xFFFF, v2;
	v45 =	vld.idx.msk [tilespmem:v45+s3+$0x0], $0xffff  }
0x1fb: {  	v0 =	vshrl.u32 v2, $0x10;
	v48 =	vand.u32 $0xFFFF, v60;
	v28 =	vld.idx.msk [tilespmem:v28+s3+$0x0], $0xffff;
	v55 =	vshll.u32 v3, $0x10  }
0x1fc: {  	v44 =	vld.idx.msk [tilespmem:v44+s3+$0x0], $0xffff;
	v3 =	vand.u32 $0xFFFF0000, v3;
	v6 =	vand.u32 $0xFFFF0000, v5;
	v2 =	vand.u32 $0xFFFF0000, v32  }
0x1fd: {  	v43 =	vld.idx.msk [tilespmem:v43+s3+$0x0], $0xffff;
	v59 =	vshll.u32 v5, $0x10;
	v26 =	vand.u32 $0xFFFF, v27;
	v5 =	vand.u32 $0xFFFF0000, v53  }
0x1fe: {  	[tilespmem:s31+$0xFFFFFF30] =	vst v1;
	v1 =	vld [tilespmem:s1+$0xFFFFFFD0];
	v32 =	vshll.u32 v32, $0x10;
	v34 =	vshll.u32 v53, $0x10;
	v62 =	vshll.u32 v25, $0x10  }
0x1ff: {  	[tilespmem:s31+$0xFFFFFFB0] =	vst v24;
	v24 =	vld [tilespmem:s1+$0xFFFFFFE0];
	v25 =	vand.u32 $0xFFFF0000, v25;
	v63 =	vshll.u32 v36, $0x10;
	v36 =	vand.u32 $0xFFFF0000, v36  }
0x200: {  	[tilespmem:s30+$0xFFFFFFC0] =	vst v12;
	v23 =	vld.idx.msk [tilespmem:v23+s3+$0x0], $0xffff;
	v16 =	vshll.u32 v29, $0x10;
	v29 =	vand.u32 $0xFFFF0000, v29;
	v12 =	vshll.u32 v22, $0x10  }
0x201: {  	v61 =	vld.idx.msk [tilespmem:v40+s3+$0x0], $0xffff;
	v20 =	vand.u32 $0xFFFF0000, v22;
	v3 =	vmul.f32 v3, v54;
	v6 =	vmul.f32 v6, v56  }
0x202: {  	v22 =	vld.idx.msk [tilespmem:v30+s3+$0x0], $0xffff;
	v14 =	vshll.u32 v45, $0x10;
	v2 =	vmul.f32 v2, v58;
	v33 =	vmul.f32 v55, v54  }
0x203: {  	v42 =	vand.u32 $0xFFFF0000, v45;
	v38 =	vmul.f32 v59, v56;
	v32 =	vmul.f32 v32, v58;
	v55 =	vld.idx.msk [tilespmem:v46+s3+$0x0], $0xffff  }
0x204: {  	[tilespmem:s30+$0xFFFFFF70] =	vst v8;
	v34 =	vmul.f32 v34, v37;
	v56 =	vld.idx.msk [tilespmem:v47+s3+$0x0], $0xffff;
	v17 =	vshll.u32 v44, $0x10;
	v44 =	vand.u32 $0xFFFF0000, v44  }
0x205: {  	[tilespmem:s30+$0xFFFFFF50] =	vst v13;
	v13 =	vld [tilespmem:s29+$0xFFFFFF10];
	v39 =	vand.u32 $0xFFFF, v1;
	v3 =	vadd.f32 v6, v3;
	v6 =	vshrl.u32 v27, $0x10  }
0x206: {  	[tilespmem:s30+$0xFFFFFFD0] =	vst v11;
	v11 =	vld [tilespmem:s29+$0xFFFFFF20];
	v27 =	vand.u32 $0xFFFF, v57;
	v33 =	vadd.f32 v38, v33;
	v19 =	vshll.u32 v61, $0x10  }
0x207: {  	[tilespmem:s30+$0xFFFFFF60] =	vst v10;
	v10 =	vld [tilespmem:s29+$0xFFFFFF30];
	v35 =	vand.u32 $0xFFFF0000, v61;
	v2 =	vadd.f32 v2, v3;
	v3 =	vmul.f32 v5, v37  }
0x208: {  	[tilespmem:s30+$0xFFFFFFF0] =	vst v7;
	v5 =	vshrl.u32 v31, $0x10;
	v31 =	vld.idx.msk [tilespmem:v4+s3+$0x0], $0xffff;
	v4 =	vshrl.u32 v57, $0x10;
	v37 =	vshll.u32 v28, $0x10  }
0x209: {  	v59 =	vld [tilespmem:s29+$0xFFFFFF70];
	v28 =	vand.u32 $0xFFFF0000, v28;
	v32 =	vadd.f32 v32, v33;
	v33 =	vshll.u32 v23, $0x10  }
0x20a: {  	v23 =	vand.u32 $0xFFFF0000, v23;
	v47 =	vshll.u32 v22, $0x10;
	v22 =	vand.u32 $0xFFFF0000, v22  }
0x20b: {  	v18 =	vshll.u32 v55, $0x10;
	v30 =	vand.u32 $0xFFFF0000, v55;
	v15 =	vshll.u32 v56, $0x10  }
0x20c: {  	v45 =	vand.u32 $0xFFFF0000, v56;
	v7 =	vshll.u32 v13, $0x10;
	v13 =	vand.u32 $0xFFFF0000, v13  }
0x20d: {  	v58 =	vshll.u32 v11, $0x10;
	v11 =	vand.u32 $0xFFFF0000, v11;
	v52 =	vand.u32 $0xFFFF0000, v10  }
0x20e: {  	[tilespmem:s30+$0xFFFFFFE0] =	vst v9;
	v9 =	vld [tilespmem:s29+$0xFFFFFF40];
	v53 =	vshll.u32 v59, $0x10;
	v50 =	vadd.f32 v3, v2;
	v3 =	vshrl.u32 v1, $0x10  }
0x20f: {  	v2 =	vshrl.u32 v24, $0x10;
	v24 =	vand.u32 $0xFFFF, v24;
	v1 =	vshrl.u32 v60, $0x10  }
0x210: {  	v8 =	vld [tilespmem:s29+$0xFFFFFF50];
	v32 =	vadd.f32 v34, v32;
	v34 =	vshll.u32 v43, $0x10;
	v40 =	vmul.f32 v62, v7  }
0x211: {  	v60 =	vshll.u32 v10, $0x10;
	v7 =	vmul.f32 v25, v7;
	v10 =	vmul.f32 v63, v13  }
0x212: {  	v61 =	vld.idx.msk [tilespmem:v49+s3+$0x0], $0xffff;
	v43 =	vand.u32 $0xFFFF0000, v43;
	v13 =	vmul.f32 v36, v13;
	v19 =	vmul.f32 v19, v52  }
0x213: {  	v25 =	vld.idx.msk [tilespmem:v26+s3+$0x0], $0xffff;
	v26 =	vshll.u32 v9, $0x10;
	v35 =	vmul.f32 v35, v52;
	v23 =	vmul.f32 v23, v60  }
0x214: {  	v21 =	vld.idx.msk [tilespmem:v21+s3+$0x0], $0xffff;
	v9 =	vand.u32 $0xFFFF0000, v9;
	v16 =	vmul.f32 v16, v26;
	v26 =	vmul.f32 v29, v26  }
0x215: {  	v0 =	vld.idx.msk [tilespmem:v0+s3+$0x0], $0xffff;
	v62 =	vshll.u32 v8, $0x10;
	v12 =	vmul.f32 v12, v9;
	v9 =	vmul.f32 v20, v9  }
0x216: {  	v54 =	vld [tilespmem:s29+$0xFFFFFFC0];
	v8 =	vand.u32 $0xFFFF0000, v8;
	v18 =	vmul.f32 v18, v62;
	v30 =	vmul.f32 v30, v62  }
0x217: {  	s31 =	sadd.s32 $0x100, s31;
	v57 =	vld [tilespmem:s29+$0xFFFFFF60];
	v20 =	vand.u32 $0xFFFF0000, v61;
	v41 =	vmul.f32 v14, v8;
	v42 =	vmul.f32 v42, v8  }
0x218: {  	v55 =	vld [tilespmem:s29+$0xFFFFFFD0];
	v34 =	vmul.f32 v34, v53;
	v43 =	vmul.f32 v43, v53;
	[tilespmem:s31+$0x0] =	vst v50;
	v50 =	vand.u32 $0xFFFF0000, v59  }
0x219: {  	v56 =	vld [tilespmem:s29+$0xFFFFFFE0];
	[tilespmem:s31+$0xFFFFFF80] =	vst v32;
	v10 =	vadd.f32 v10, v40;
	v32 =	vmul.f32 v37, v11;
	v37 =	vshll.u32 v21, $0x10  }
0x21a: {  	v39 =	vld.idx.msk [tilespmem:v39+s3+$0x0], $0xffff;
	v11 =	vmul.f32 v28, v11;
	v28 =	vmul.f32 v33, v60;
	v21 =	vand.u32 $0xFFFF0000, v21  }
0x21b: {  	v33 =	vld.idx.msk [tilespmem:v48+s3+$0x0], $0xffff;
	v48 =	vshll.u32 v61, $0x10;
	v61 =	vshll.u32 v54, $0x10;
	v38 =	vshll.u32 v31, $0x10  }
0x21c: {  	v52 =	vld [tilespmem:s29+$0xFFFFFFB0];
	v31 =	vand.u32 $0xFFFF0000, v31;
	v47 =	vmul.f32 v47, v50;
	v22 =	vmul.f32 v22, v50  }
0x21d: {  	v27 =	vld.idx.msk [tilespmem:v27+s3+$0x0], $0xffff;
	v63 =	vshll.u32 v57, $0x10;
	v38 =	vmul.f32 v38, v58;
	v31 =	vmul.f32 v31, v58  }
0x21e: {  	v40 =	vld [tilespmem:s29+$0xFFFFFFA0];
	v46 =	vand.u32 $0xFFFF0000, v57;
	v15 =	vmul.f32 v15, v63;
	v36 =	vmul.f32 v45, v63  }
0x21f: {  	v53 =	vld.idx.msk [tilespmem:v5+s3+$0x0], $0xffff;
	v14 =	vadd.f32 v35, v23;
	v17 =	vmul.f32 v17, v46;
	v44 =	vmul.f32 v44, v46  }
0x220: {  	[tilespmem:$0x1FEE0] =	vst v10;
	v10 =	vld [tilespmem:s29+$0xFFFFFF90];
	v63 =	vshll.u32 v56, $0x10;
	v51 =	vshll.u32 v25, $0x10;
	v25 =	vand.u32 $0xFFFF0000, v25  }
0x221: {  	v58 =	vshll.u32 v39, $0x10;
	v39 =	vand.u32 $0xFFFF0000, v39;
	v62 =	vld.idx.msk [tilespmem:v3+s3+$0x0], $0xffff;
	v3 =	vshll.u32 v55, $0x10  }
0x222: {  	v45 =	vld [tilespmem:s29+$0xFFFFFFF0];
	v47 =	vadd.f32 v47, v34;
	v49 =	vshll.u32 v27, $0x10;
	v57 =	vand.u32 $0xFFFF0000, v27  }
0x223: {  	v50 =	vld.idx.msk [tilespmem:v4+s3+$0x0], $0xffff;
	v27 =	vshll.u32 v52, $0x10;
	v60 =	vshll.u32 v33, $0x10;
	v33 =	vand.u32 $0xFFFF0000, v33  }
0x224: {  	v46 =	vld.idx.msk [tilespmem:v6+s3+$0x0], $0xffff;
	v4 =	vshll.u32 v40, $0x10;
	v23 =	vmul.f32 v57, v61;
	v57 =	vshll.u32 v0, $0x10  }
0x225: {  	v24 =	vld.idx.msk [tilespmem:v24+s3+$0x0], $0xffff;
	v0 =	vand.u32 $0xFFFF0000, v0;
	v6 =	vshll.u32 v10, $0x10;
	v29 =	vmovc v10;
	v10 =	vadd.f32 v13, v7  }
0x226: {  	v35 =	vand.u32 $0xFFFF0000, v53;
	v7 =	vadd.f32 v32, v38;
	v32 =	vld.idx.msk [tilespmem:v1+s3+$0x0], $0xffff;
	v1 =	vadd.f32 v11, v31  }
0x227: {  	v8 =	vshll.u32 v45, $0x10;
	v13 =	vadd.f32 v19, v28;
	v11 =	vadd.f32 v12, v16  }
0x228: {  	v12 =	vadd.f32 v9, v26;
	v9 =	vadd.f32 v42, v30;
	v26 =	vmul.f32 v49, v61  }
0x229: {  	v61 =	vadd.f32 v22, v43;
	v19 =	vmul.f32 v39, v3;
	v42 =	vshll.u32 v46, $0x10  }
0x22a: {  	v39 =	vshll.u32 v53, $0x10;
	v5 =	vshll.u32 v24, $0x10;
	v37 =	vmul.f32 v37, v6  }
0x22b: {  	v59 =	vand.u32 $0xFFFF0000, v24;
	v38 =	vmul.f32 v21, v6;
	v6 =	vmul.f32 v51, v4  }
0x22c: {  	v51 =	vadd.f32 v41, v18;
	v18 =	vmul.f32 v5, v63;
	v16 =	vmul.f32 v59, v63;
	v63 =	vld [tilespmem:$0x1FEE0]  }
0x22d: {  	v2 =	vld.idx.msk [tilespmem:v2+s3+$0x0], $0xffff;
	v31 =	vshll.u32 v50, $0x10;
	v30 =	vand.u32 $0xFFFF0000, v50;
	v4 =	vmul.f32 v25, v4  }
0x22e: {  	v43 =	vand.u32 $0xFFFF0000, v52;
	v24 =	vmul.f32 v48, v27;
	v27 =	vmul.f32 v20, v27  }
0x22f: {  	v48 =	vadd.f32 v17, v15;
	v20 =	vmul.f32 v58, v3;
	v3 =	vmul.f32 v33, v8  }
0x230: {  	s0 =	sadd.s32 $0x8, s0;
	v41 =	vand.u32 $0xFFFF0000, v46;
	[tilespmem:$0x1FEF0] =	vst v7;
	v5 =	vmul.f32 v60, v8;
	v8 =	vand.u32 $0xFFFF0000, v29  }
0x231: {  	p0 =	slt.u32 s0, $0xF8;
	v7 =	vadd.f32 v44, v36;
	v36 =	vadd.f32 v37, v63;
	v37 =	vmul.f32 v0, v8;
	v0 =	vld [tilespmem:$0x1FEF0]  }
.Ltmp18:
0x232: {  	v28 =	vshll.u32 v62, $0x10;
	v25 =	vand.u32 $0xFFFF0000, v62;
	v22 =	vshll.u32 v2, $0x10;
	(pc) =	sbr.rel @p0 .LBB2_35-.Ltmp18, $4  }
0x233: {  	v21 =	vand.u32 $0xFFFF0000, v2;
	v17 =	vand.u32 $0xFFFF0000, v45;
	v44 =	vand.u32 $0xFFFF0000, v40  }
0x234: {  	v40 =	vand.u32 $0xFFFF0000, v54;
	v29 =	vand.u32 $0xFFFF0000, v56;
	v33 =	vadd.f32 v38, v10  }
0x235: {  	v38 =	vmul.f32 v57, v8;
	v15 =	vshll.u32 v32, $0x10;
	v2 =	vand.u32 $0xFFFF0000, v32  }
0x236: {  	s1 =	sadd.s32 $0x100, s1;
	s30 =	smov.u32 s31;
	v32 =	vand.u32 $0xFFFF0000, v55;
	v34 =	vadd.f32 v6, v0;
	v0 =	vadd.f32 v4, v1  }
0x237: {  	v1 =	vmul.f32 v42, v44;
	v4 =	vadd.f32 v38, v36  }
0x238: {  	v6 =	vmul.f32 v41, v44;
	v8 =	vadd.f32 v37, v33  }
0x239: {  	v10 =	vadd.f32 v24, v13;
	v41 =	vmul.f32 v39, v43;
	[tilespmem:s31+$0xFFFFFF10] =	vst v4;
	v1 =	vadd.f32 v1, v34  }
0x23a: {  	v42 =	vadd.f32 v27, v14;
	v43 =	vmul.f32 v35, v43;
	v0 =	vadd.f32 v6, v0;
	[tilespmem:s31+$0xFFFFFF90] =	vst v8  }
0x23b: {  	v44 =	vadd.f32 v26, v11;
	v45 =	vmul.f32 v31, v40;
	v10 =	vadd.f32 v41, v10;
	[tilespmem:s31+$0xFFFFFF20] =	vst v1  }
0x23c: {  	v52 =	vadd.f32 v19, v9;
	v53 =	vmul.f32 v25, v32;
	v4 =	vadd.f32 v43, v42;
	[tilespmem:s31+$0xFFFFFFA0] =	vst v0  }
0x23d: {  	v54 =	vadd.f32 v18, v48;
	v55 =	vmul.f32 v22, v29;
	v6 =	vadd.f32 v45, v44;
	[tilespmem:s31+$0xFFFFFF30] =	vst v10  }
0x23e: {  	v56 =	vadd.f32 v16, v7;
	v57 =	vmul.f32 v21, v29;
	v58 =	vadd.f32 v53, v52;
	[tilespmem:s31+$0xFFFFFFB0] =	vst v4  }
0x23f: {  	v5 =	vadd.f32 v5, v47;
	v59 =	vmul.f32 v15, v17;
	v60 =	vadd.f32 v55, v54;
	[tilespmem:s31+$0xFFFFFF40] =	vst v6  }
0x240: {  	v3 =	vadd.f32 v3, v61;
	v2 =	vmul.f32 v2, v17;
	v61 =	vadd.f32 v57, v56;
	[tilespmem:s30+$0xFFFFFFD0] =	vst v58  }
0x241: {  	v46 =	vadd.f32 v23, v12;
	v49 =	vmul.f32 v30, v40;
	v62 =	vadd.f32 v59, v5;
	[tilespmem:s30+$0xFFFFFF60] =	vst v60  }
0x242: {  	v50 =	vadd.f32 v20, v51;
	v51 =	vmul.f32 v28, v32;
	v63 =	vadd.f32 v2, v3;
	[tilespmem:s30+$0xFFFFFFE0] =	vst v61  }
.Ltmp19:
0x243: {  	v1 =	vadd.f32 v49, v46;
	[tilespmem:s30+$0xFFFFFF70] =	vst v62;
	(pc) =	sbr.rel @p1 .LBB2_46-.Ltmp19, $4  }
0x244: {  	v0 =	vadd.f32 v51, v50;
	[tilespmem:s30+$0xFFFFFFF0] =	vst v63  }
0x245: {  	s0 =	sadd.s32 s28, s7;
	[tilespmem:s30+$0xFFFFFFC0] =	vst v1  }
0x246: {  	s0 =	sadd.s32 $0x1000, s0;
	[tilespmem:s30+$0xFFFFFF50] =	vst v0  }
0x247: {  	[hbm4b:s0+s15] =	stream.strided.scatter [tilespmem:s21], [sflag:$0x4], $0x2000, s16, s15, $0x38;
	[tilespmem:$0x1C000] =	vst v63  }
0x248: {  	s0 =	sadd.s32 $0x600, s26  }
0x249: {  	s14 =	simm.s32 $0x12000;
	s1 =	sadd.s32 s4, s0  }
0x24a: {  	s22 =	simm.s32 $0x10;
	s23 =	simm.s32 $0x12100;
	s26 =	sadd.s32 $0x0, s1  }
.LBB2_38:
0x24b: {  	[tilespmem:s14], [sflag:$0x2] =	stream.linear.gather [hbm4b:s26+s3], $0x80, $0x38;
	[tilespmem:$0x1C000] =	vst v63  }
0x24c: {  	s2 =	smov.u32 s22;
	s14 =	smov.u32 s23;
	p0 =	sne.s32 s22, $0x1F0  }
.Ltmp20:
0x24d: {  	s22 =	sadd.s32 $0x10, s22;
	(pc) =	sbr.rel @p0 .LBB2_38-.Ltmp20, $2  }
0x24e: {  	_ =	sdelay $0x2  }
0x24f: {  	s23 =	sadd.s32 $0x100, s23;
	s26 =	sadd.s32 s2, s1  }
0x250: {  	[tilespmem:s14], [sflag:$0x2] =	stream.linear.gather [hbm4b:s26+s3], $0x80, $0x38;
	[tilespmem:$0x1C000] =	vst v63  }
0x251: {  	s1 =	sadd.s32 s8, s0;
	s14 =	simm.s32 $0x12080  }
0x252: {  	s22 =	simm.s32 $0x10;
	s23 =	simm.s32 $0x12180;
	s26 =	sadd.s32 $0x0, s1  }
.LBB2_40:
0x253: {  	[tilespmem:s14], [sflag:$0x2] =	stream.linear.gather [hbm4b:s26+s3], $0x80, $0x38;
	[tilespmem:$0x1C000] =	vst v63  }
0x254: {  	s2 =	smov.u32 s22;
	s14 =	smov.u32 s23;
	p0 =	sne.s32 s22, $0x1F0  }
.Ltmp21:
0x255: {  	s22 =	sadd.s32 $0x10, s22;
	(pc) =	sbr.rel @p0 .LBB2_40-.Ltmp21, $2  }
0x256: {  	_ =	sdelay $0x2  }
0x257: {  	s23 =	sadd.s32 $0x100, s23;
	s26 =	sadd.s32 s2, s1  }
0x258: {  	[tilespmem:s14], [sflag:$0x2] =	stream.linear.gather [hbm4b:s26+s3], $0x80, $0x38;
	[tilespmem:$0x1C000] =	vst v63  }
0x259: {  	s1 =	sadd.s32 s5, s0;
	s14 =	simm.s32 $0x16000  }
0x25a: {  	s22 =	simm.s32 $0x10;
	s23 =	simm.s32 $0x16100;
	s26 =	sadd.s32 $0x0, s1  }
.LBB2_42:
0x25b: {  	[tilespmem:s14], [sflag:$0x2] =	stream.linear.gather [hbm4b:s26+s3], $0x80, $0x38;
	[tilespmem:$0x1C000] =	vst v63  }
0x25c: {  	s2 =	smov.u32 s22;
	s14 =	smov.u32 s23;
	p0 =	sne.s32 s22, $0x1F0  }
.Ltmp22:
0x25d: {  	s22 =	sadd.s32 $0x10, s22;
	(pc) =	sbr.rel @p0 .LBB2_42-.Ltmp22, $2  }
0x25e: {  	_ =	sdelay $0x2  }
0x25f: {  	s23 =	sadd.s32 $0x100, s23;
	s26 =	sadd.s32 s2, s1  }
0x260: {  	[tilespmem:s14], [sflag:$0x2] =	stream.linear.gather [hbm4b:s26+s3], $0x80, $0x38;
	[tilespmem:$0x1C000] =	vst v63  }
0x261: {  	s0 =	sadd.s32 s6, s0;
	s1 =	simm.s32 $0x16080  }
0x262: {  	s14 =	simm.s32 $0x10;
	s22 =	simm.s32 $0x16180;
	s23 =	sadd.s32 $0x0, s0  }
.LBB2_44:
0x263: {  	[tilespmem:s1], [sflag:$0x2] =	stream.linear.gather [hbm4b:s23+s3], $0x80, $0x38;
	[tilespmem:$0x1C000] =	vst v63  }
0x264: {  	s2 =	smov.u32 s14;
	s1 =	smov.u32 s22;
	p0 =	sne.s32 s14, $0x1F0  }
.Ltmp23:
0x265: {  	s14 =	sadd.s32 $0x10, s14;
	(pc) =	sbr.rel @p0 .LBB2_44-.Ltmp23, $2  }
0x266: {  	_ =	sdelay $0x2  }
0x267: {  	s22 =	sadd.s32 $0x100, s22;
	s23 =	sadd.s32 s2, s0  }
.Ltmp24:
0x268: {  	(pc) =	sbr.rel .LBB2_22-.Ltmp24, $3  }
0x269: {  	_ =	sdelay $0x1  }
0x26a: {  	[tilespmem:s1], [sflag:$0x2] =	stream.linear.gather [hbm4b:s23+s3], $0x80, $0x38;
	[tilespmem:$0x1C000] =	vst v63  }
0x26b: {  	s25 =	sadd.s32 $0x1, s25  }
.LBB2_47:
0x26c: {  	_ =	sfence.sel $0x180000  }
0x26d: {  	[bflag:$0x0] =	sbarrier.arrive $0xFFFF  }
0x26e: {  	_ =	strace $0x90000047  }
0x26f: {  	s0 =	stileid.u32;
	[bflag:$0x2] =	sbarrier.arrive $0xFFFF  }
0x270: {  	p0 =	sne.s32 s0, $0x0;
	s0 =	rddreg [dreg:$0x3]  }
0x271: {  	s0 =	sadd.s32 @!p0 $0x100000, s0  }
0x272: {  	[sflag:s0] =	ssyncadd.tile.s32 @!p0 $0x1;
	_ =	shalt  }
.Lfunc_end2:
_tile_overlayer_lowered:
.L_overlay_start_2:
0x273: {  	(tag) =	ssettag $0x2  }
0x274: {  	s0 =	rddreg [dreg:$0x0];
	s2 =	stileid.u32  }
0x275: {  	s1 =	rddreg [dreg:$0x1];
	p0 =	sne.s32 s2, $0x0  }
0x276: {  	s3 =	rddreg [dreg:$0x2];
	[bflag:$0x3] =	sbarrier.arrive $0xFFFF;
	s2 =	simm.s32 @!p0 $0x1C05  }
0x277: {  	[timem:s3], [sflag:s2] =	dma.local @!p0 [hbm:s0], s1  }
0x278: {  	s0 =	simm.s32 @!p0 $0x5  }
0x279: {  	_ =	swait.ge @!p0 [sflag:s0], s1  }
0x27a: {  	s1 =	ssub.s32 @!p0 $0x0, s1;
	[sflag:s0] =	ssyncset.done @!p0 $0x0  }
0x27b: {  	[sflag:s0] =	ssyncadd.s32 @!p0 s1  }
0x27c: {  	[bflag:$0x3] =	sbarrier.arrive $0xFFFF  }
0x27d: {  	_ =	shalt  }

// kernel: sparse-core-data-format-call.cloned.1.call-start
scs
called_computation_lowered:
.L_overlay_start_0:
0x0: {  	s2 =	sld [smem:$0x3FD9]  }
0x1: {  	s3 =	sld [smem:$0x3FFE];
	_ =	sdelay $0x1  }
0x2: {  	s1 =	srdreg.scid  }
0x3: {  	s0 =	sand.u32 $0x1, s1  }
0x4: {  	s18 =	sshll.u32 s0, $0xA;
	s2 =	sadd.s32 s3, s2  }
0x5: {  	s2 =	sadd.s32 s2, s18  }
0x6: {  	[smem:$0x3FC5] =	sst s2  }
0x7: {  	_ = 	snop  }
0x8: {  	s2 =	sld [smem:$0x3FD0];
	(tm) =	ssettm $0x1  }
0x9: {  	s19 =	sld [smem:$0x3FFB];
	_ =	sdelay $0x3  }
0xa: {  	_ =	strace s19  }
0xb: {  	s3 =	sld [smem:$0x3FFC];
	_ =	sdelay $0x3  }
0xc: {  	_ =	strace s3  }
0xd: {  	s3 =	sld [smem:$0x3FFD];
	_ =	sdelay $0x3  }
0xe: {  	_ =	strace s3  }
0xf: {  	_ =	strace $0x8FFFFFFF  }
0x10: {  	s20 =	sld [smem:$0x3FDB];
	_ =	sdelay $0x1  }
0x11: {  	s4 =	simm.s32 $_scs_section_size  }
0x12: {  	s5 =	simm.s32 $_size__tile_overlayer_lowered;
	s6 =	simm.s32 $_tile_overlayer_lowered  }
0x13: {  	s23 =	simm.s32 $0x1BFF;
	s22 =	sshll.u32 s6, $0x1;
	s3 =	sadd.s32 s4, s20  }
0x14: {  	s7 =	simm.s32 $0x0;
	s21 =	sshll.u32 s5, $0x1;
	s5 =	sadd.s32 s22, s3  }
0x15: {  	[timem:s7], [sflag:s23] =	dma.local [hbm:s5], s21  }
0x16: {  	_ =	swait.ge [sflag:s23], s21  }
0x17: {  	s4 =	ssub.s32 $0x0, s21;
	[sflag:s23] =	ssyncset.done $0x0  }
0x18: {  	[sflag:s23] =	ssyncadd.s32 s4;
	_ =	sdelay $0x1  }
0x19: {  	s24 =	simm.s32 $0x1B8B  }
0x1a: {  	_ =	swait.ge [sflag:s24], $0x1  }
0x1b: {  	[sflag:s24] =	ssyncset.done $0x0  }
0x1c: {  	s26 =	simm.s32 $0x1B8E;
	s25 =	sld [smem:$0x3FFE];
	[sflag:s24] =	ssyncadd.s32 $0xFFFFFFFF  }
0x1d: {  	s27 =	simm.s32 $execute0_lowered;
	[smem:$0x3FD2] =	sst s26  }
0x1e: {  	s5 =	sshll.u32 s27, $0x1;
	_ =	strace $0x80000049;
	[dreg:$0x1] =	wrdreg $0xFFFFFFFF  }
0x1f: {  	s28 =	simm.s32 $_size_execute0_lowered;
	s3 =	sadd.s32 s3, s5;
	[dreg:$0x0] =	wrdreg $0x0  }
0x20: {  	s5 =	sshll.u32 s28, $0x1;
	[dreg:$0x2] =	wrdreg s3  }
0x21: {  	[dreg:$0x3] =	wrdreg s5  }
0x22: {  	[dreg:$0x4] =	wrdreg $0xC0  }
0x23: {  	_ =	task [dreg:s7], $0x5FFFF  }
0x24: {  	[dreg:$0x1] =	wrdreg $0xFFFFFFFF  }
0x25: {  	[dreg:$0x0] =	wrdreg $0x60  }
0x26: {  	[dreg:$0x2] =	wrdreg s25  }
0x27: {  	[dreg:$0x3] =	wrdreg s2  }
0x28: {  	[dreg:$0x4] =	wrdreg $0x9  }
0x29: {  	_ =	task.clear_ibuf [dreg:s7], $0x5FFFF;
	_ =	strace $0x90000049  }
0x2a: {  	s29 =	simm.s32 $0x9;
	_ =	strace $0x8000004B  }
0x2b: {  	_ =	swait.ge [sflag:s29], $0x1  }
0x2c: {  	[sflag:s29] =	ssyncadd.s32 $0xFFFFFFFF  }
0x2d: {  	_ =	strace $0x9000004B  }
0x2e: {  	_ =	sfence  }
0x2f: {  	s30 =	sld [smem:$0x0];
	_ =	sdelay $0x2  }
0x30: {  	s31 =	sshll.u32 s1, $0xD;
	s1 =	sshrl.u32 s1, $0x2  }
0x31: {  	s3 =	sand.u32 $0x4000, s31;
	s1 =	sadd.s32 s1, s30  }
0x32: {  	s0 =	sor.u32 s3, s0;
	s1 =	sshll.u32 s1, $0x11  }
0x33: {  	s0 =	sor.u32 s1, s0  }
0x34: {  	s0 =	sadd.s32 $0x8F2B, s0  }
0x35: {  	[sflag:s0] =	ssyncadd.remote.s32 $0x1  }
0x36: {  	_ =	sfence.sel $0xFFFF  }
0x37: {  	[dreg:$0x0] =	wrdreg $0xFFFFFFFF;
	(pc) =	sbr.abs _section_cstart, $3  }
0x38: {  	[dreg:$0x1] =	wrdreg $0xFFFFFFFF  }
0x39: {  	_ =	task.clear_ibuf [dreg:s7], $0x2FFFF;
	_ =	strace $0x9FFFFFFF  }
0x3a: {  	(tm) =	ssettm $0x7FFFFFFF  }
0x3b: {  	_ =	shalt  }
tec
execute0_lowered:
.L_overlay_start_1:
0x0: {  	(tag) =	ssettag $0x1  }
0x1: {  	s0 =	srdreg.scid  }
0x2: {  	s5 =	stileid.u32;
	s1 =	rddreg [dreg:$0x0]  }
0x3: {  	s2 =	rddreg [dreg:$0x1];
	_ =	strace $0x8000004A;
	s6 =	simm.s32 $0x1  }
0x4: {  	s7 =	simm.s32 $0x2;
	s16 =	simm.s32 $0x0;
	s9 =	simm.s32 $0x20000  }
0x5: {  	s10 =	simm.s32 $0x0;
	s17 =	simm.s32 $0x0;
	s0 =	sshll.u32 s0, $0x4  }
0x6: {  	s19 =	simm.s32 $0x0;
	s18 =	simm.s32 $0x0;
	s0 =	sor.u32 s5, s0  }
0x7: {  	s11 =	simm.s32 $0x0;
	s12 =	simm.s32 $0x0;
	s3 =	sand.u32 $0x18, s0  }
0x8: {  	s15 =	simm.s32 $0x0;
	s25 =	simm.s32 $0x0;
	s0 =	ssub.s32 $0x100, s3  }
.Ltmp0:
0x9: {  	s4 =	sadd.s32 $0xCE00, s1;
	s31 =	sand.u32 $0x18, s0;
	(pc) =	sbr.rel .LBB1_1-.Ltmp0, $4  }
0xa: {  	s1 =	simm.s32 $0x1;
	[sflag:s6] =	ssyncpa.u1 $0x0;
	p0 =	sne.s32 s31, $0x0  }
0xb: {  	s5 =	sand.u32 $0x7, s5;
	s0 =	sshrl.u32 s0, $0x5;
	s1 =	simm.s32 @!p0 $0x0  }
0xc: {  	[sflag:s7] =	ssyncpa.u1 $0x0;
	s14 =	smov.u32 s5;
	s0 =	sadd.s32 s1, s0  }
0xd: {  	s13 =	smov.u32 s3;
	s7 =	sshll.u32 s0, $0x1;
	s8 =	sshllo.u32 s0, $0x1  }
.LBB1_7:
0xe: {  	s0 =	sadd.s32 $0x100, s11  }
0xf: {  	s1 =	sadd.s32 $0x8, s12;
	s20 =	smov.u32 s12;
	p1 =	sgt.s32 s0, $0x1FF  }
0x10: {  	s20 =	smov.u32 @p1 s1  }
0x11: {  	s21 =	smov.u32 s13;
	s1 =	sadd.s32 $0x20, s13;
	p2 =	sgt.s32 s20, $0x7  }
0x12: {  	s21 =	smov.u32 @p2 s1  }
0x13: {  	s22 =	smov.u32 s14;
	s1 =	sadd.s32 $0x8, s14;
	p3 =	sgt.s32 s21, $0xFF  }
0x14: {  	p0 =	slt.u32 s15, $0x2;
	s22 =	smov.u32 @p3 s1  }
0x15: {  	s16 =	smov.u32 s11;
	s0 =	simm.s32 @p1 $0x0;
	p1 =	sgt.s32 s22, $0x7  }
0x16: {  	s17 =	smov.u32 s12;
	s22 =	smov.u32 @p1 s5;
	p1 =	sne.s32 s15, s8  }
.Ltmp1:
0x17: {  	s19 =	smov.u32 s13;
	s18 =	smov.u32 s14;
	(pc) =	sbr.rel @!p1 .LBB1_8-.Ltmp1, $4  }
0x18: {  	s10 =	sadd.s32 $0x4000, s10;
	s11 =	smov.u32 s0;
	s1 =	simm.s32 @!p0 $0x2  }
0x19: {  	s20 =	simm.s32 @p2 $0x0;
	s21 =	smov.u32 @p3 s3;
	_ =	swait.ge @!p0 [sflag:s1], $0x4000  }
0x1a: {  	s12 =	smov.u32 s20;
	s13 =	smov.u32 s21;
	[sflag:s1] =	ssyncset.done @!p0 $0x0  }
0x1b: {  	s15 =	sadd.s32 $0x1, s15;
	[sflag:s1] =	ssyncadd.s32 @!p0 $0xFFFFC000;
	s14 =	smov.u32 s22  }
.LBB1_1:
0x1c: {  	p0 =	sge.u32 s15, s7  }
0x1d: {  	s31 =	sadd.s32 $0xFFFFFFFF, s15;
	s0 =	sxor.u32 @!p0 $0xFFFFFFFF, s15;
	s1 =	sshll.u32 @!p0 s11, $0x3  }
0x1e: {  	s20 =	sshll.u32 @!p0 s12, $0x7;
	s21 =	sand.u32 @!p0 $0x78, s11;
	s22 =	sshll.u32 @!p0 s14, $0x11  }
0x1f: {  	s23 =	sshll.u32 @!p0 s13, $0x9;
	s0 =	sshll.u32 @!p0 s0, $0xE;
	s20 =	sand.u32 @!p0 $0x380, s20  }
0x20: {  	s1 =	sand.u32 @!p0 $0xC00, s1;
	s0 =	sand.u32 @!p0 $0x4000, s0;
	s20 =	sor.u32 @!p0 s21, s20  }
0x21: {  	s21 =	sand.u32 @!p0 $0x7, s11;
	s1 =	sor.u32 @!p0 s1, s20;
	s20 =	sadd.s32 @!p0 s4, s22  }
0x22: {  	s21 =	sshll.u32 @!p0 s21, $0x12;
	s1 =	sshrl.u32 @!p0 s1, $0x3;
	s20 =	sadd.s32 @!p0 s23, s20  }
0x23: {  	s1 =	sadd.s32 @!p0 s1, s20;
	s20 =	sor.u32 @!p0 $0x800, s21;
	s21 =	simm.s32 @!p0 $0x1000  }
0x24: {  	[tilespmem:s0], [sflag:$0x1] =	stream.strided.gather @!p0 [hbm4b:s1+s20], $0x4000, s21, s20, $0x38;
	[tilespmem:$0x10000] =	vst v63  }
0x25: {  	p0 =	sge.u32 s31, s7  }
.Ltmp2:
0x26: {  	_ = 	snop;
	(pc) =	sbr.rel @p0 .LBB1_7-.Ltmp2, $1  }
0x27: {  	_ =	sdelay $0x3  }
0x28: {  	s0 =	sshll.u32 s10, $0x2;
	_ =	swait.ge [sflag:s6], $0x4000;
	s1 =	sshll.u32 s15, $0xE  }
0x29: {  	p0 =	por $0x0, $0x0;
	s26 =	simm.s32 $0x0;
	s27 =	simm.s32 $0x0  }
0x2a: {  	s0 =	sand.u32 $0x10000, s0;
	[sflag:s6] =	ssyncset.done $0x0;
	s23 =	sand.u32 $0x4000, s1  }
0x2b: {  	s0 =	sshrl.u32 s0, $0x2;
	[sflag:s6] =	ssyncadd.s32 $0xFFFFC000;
	s20 =	sor.u32 $0x8000, s23  }
0x2c: {  	s21 =	sor.u32 $0x40, s0;
	s22 =	sor.u32 $0x8410, s0;
	s24 =	sadd.s32 $0x8400, s0  }
.LBB1_3:
0x2d: {  	v1 =	vld [tilespmem:s21+$0xFFFFFFD0]  }
0x2e: {  	v2 =	vld [tilespmem:s21+$0x430]  }
0x2f: {  	s0 =	sshll.u32 s27, $0xB;
	v4 =	vld [tilespmem:s21+$0xFFFFFFE0]  }
0x30: {  	v7 =	vld [tilespmem:s21+$0xFFFFFFF0];
	v0 =	vmov s0  }
0x31: {  	v8 =	vld [tilespmem:s21+$0x0]  }
0x32: {  	v9 =	vld [tilespmem:s21+$0x10];
	s0 =	sand.u32 $0x300, s25  }
0x33: {  	s1 =	sand.u32 $0x80, s25;
	v10 =	vld [tilespmem:s21+$0x20];
	s0 =	sadd.s32 s0, s23  }
0x34: {  	v11 =	vld [tilespmem:s21+$0x30];
	s0 =	sadd.s32 s1, s0;
	s1 =	simm.s32 $0x1;
	[tilespmem:s22+$0x60] =	vst v2  }
0x35: {  	s1 =	simm.s32 @!p0 $0x0;
	[tilespmem:s22+$0xFFFFFC00] =	vst v1;
	v3 =	vld.idx.msk [tilespmem:v0+s0+$0x400 ss:$0x1], $0xffff;
	s0 =	sshll.u32 s26, $0x2  }
0x36: {  	v6 =	vld [tilespmem:s21+$0x3D0];
	s1 =	sshll.u32 s1, $0x9;
	[tilespmem:s22+$0xFFFFFC10] =	vst v4;
	s0 =	sand.u32 $0xFFFFFC00, s0  }
0x37: {  	v5 =	vld [tilespmem:s21+$0x3E0];
	[tilespmem:s22+$0xFFFFFC20] =	vst v7;
	s0 =	sor.u32 s1, s0  }
0x38: {  	[tilespmem:s22+$0xFFFFFC30] =	vst v8;
	v4 =	vld [tilespmem:s21+$0x400];
	s0 =	sshrl.u32 s0, $0x2  }
0x39: {  	[tilespmem:s22+$0xFFFFFC40] =	vst v9;
	v1 =	vld [tilespmem:s21+$0x410];
	s28 =	sadd.s32 s0, s24  }
0x3a: {  	[tilespmem:s28+$0x0] =	vst v3;
	v3 =	vld [tilespmem:s21+$0x3F0]  }
0x3b: {  	s31 =	simm.s32 $0x100;
	[tilespmem:s22+$0xFFFFFC50] =	vst v10;
	v2 =	vld [tilespmem:s21+$0x420];
	s1 =	simm.s32 $0x80  }
0x3c: {  	s29 =	sadd.s32 $0x80, s21;
	s30 =	smov.u32 s22;
	v7 =	vld [tilespmem:s21+$0xFFFFFFC0];
	[tilespmem:s22+$0xFFFFFC60] =	vst v11;
	s0 =	sand.u32 $0x300, s1  }
.LBB1_4:
0x3d: {  	p1 =	sne.s32 s31, $0x380;
	v8 =	vld [tilespmem:s29+$0xFFFFFFD0];
	s1 =	sand.u32 $0x80, s1;
	s0 =	sadd.s32 s0, s23;
	[tilespmem:s30+$0x0] =	vst v6  }
0x3e: {  	s0 =	sadd.s32 s1, s0;
	v6 =	vld [tilespmem:s29+$0x430];
	[tilespmem:s30+$0x10] =	vst v5;
	s1 =	smov.u32 s31  }
0x3f: {  	v5 =	vld.idx.msk [tilespmem:v0+s0+$0x400 ss:$0x1], $0xffff;
	[tilespmem:s30+$0x20] =	vst v3  }
0x40: {  	v3 =	vld [tilespmem:s29+$0xFFFFFFE0];
	[tilespmem:s30+$0x30] =	vst v4  }
0x41: {  	v4 =	vld [tilespmem:s29+$0xFFFFFFF0];
	[tilespmem:s30+$0xFFFFFBF0] =	vst v7  }
0x42: {  	v7 =	vld [tilespmem:s29+$0x0];
	[tilespmem:s30+$0x40] =	vst v1  }
0x43: {  	v1 =	vld [tilespmem:s29+$0x10];
	[tilespmem:s30+$0x50] =	vst v2;
	s30 =	sadd.s32 $0x800, s30  }
0x44: {  	s28 =	sadd.s32 $0x800, s28;
	v2 =	vld [tilespmem:s29+$0x20];
	[tilespmem:s30+$0x60] =	vst v6  }
0x45: {  	v9 =	vld [tilespmem:s29+$0x30];
	[tilespmem:s28+$0x0] =	vst v5  }
0x46: {  	[tilespmem:s30+$0xFFFFFC00] =	vst v8;
	v6 =	vld [tilespmem:s29+$0x3D0]  }
0x47: {  	[tilespmem:s30+$0xFFFFFC10] =	vst v3;
	v5 =	vld [tilespmem:s29+$0x3E0]  }
.Ltmp3:
0x48: {  	[tilespmem:s30+$0xFFFFFC20] =	vst v4;
	v3 =	vld [tilespmem:s29+$0x3F0];
	(pc) =	sbr.rel @p1 .LBB1_4-.Ltmp3, $4  }
0x49: {  	[tilespmem:s30+$0xFFFFFC30] =	vst v7;
	v4 =	vld [tilespmem:s29+$0x400]  }
0x4a: {  	[tilespmem:s30+$0xFFFFFC40] =	vst v1;
	v1 =	vld [tilespmem:s29+$0x410]  }
0x4b: {  	[tilespmem:s30+$0xFFFFFC50] =	vst v2;
	v2 =	vld [tilespmem:s29+$0x420]  }
0x4c: {  	s31 =	sadd.s32 $0x80, s31;
	s0 =	sand.u32 $0x300, s1;
	v7 =	vld [tilespmem:s29+$0xFFFFFFC0];
	[tilespmem:s30+$0xFFFFFC60] =	vst v9;
	s29 =	sadd.s32 $0x80, s29  }
0x4d: {  	[tilespmem:s30+$0x0] =	vst v6  }
0x4e: {  	[tilespmem:s30+$0x10] =	vst v5  }
0x4f: {  	v49 =	vld [tilespmem:s29+$0x430];
	[tilespmem:s30+$0x20] =	vst v3  }
0x50: {  	v50 =	vld [tilespmem:s29+$0xFFFFFFD0];
	[tilespmem:s30+$0x30] =	vst v4  }
0x51: {  	v51 =	vld [tilespmem:s29+$0xFFFFFFE0];
	[tilespmem:s30+$0x40] =	vst v1  }
0x52: {  	v52 =	vld [tilespmem:s29+$0xFFFFFFF0];
	[tilespmem:s30+$0x50] =	vst v2  }
0x53: {  	v53 =	vld [tilespmem:s29+$0x0];
	[tilespmem:s30+$0xFFFFFBF0] =	vst v7;
	s30 =	sadd.s32 $0x800, s30  }
0x54: {  	v54 =	vld [tilespmem:s29+$0x10];
	[tilespmem:s30+$0x60] =	vst v49  }
0x55: {  	v55 =	vld [tilespmem:s29+$0x20];
	[tilespmem:s30+$0xFFFFFC00] =	vst v50  }
0x56: {  	v56 =	vld [tilespmem:s29+$0x30];
	[tilespmem:s30+$0xFFFFFC10] =	vst v51  }
0x57: {  	v57 =	vld [tilespmem:s29+$0x3D0];
	[tilespmem:s30+$0xFFFFFC20] =	vst v52  }
0x58: {  	v58 =	vld [tilespmem:s29+$0x3E0];
	[tilespmem:s30+$0xFFFFFC30] =	vst v53  }
0x59: {  	v59 =	vld [tilespmem:s29+$0x3F0];
	[tilespmem:s30+$0xFFFFFC40] =	vst v54  }
0x5a: {  	v60 =	vld [tilespmem:s29+$0x400];
	[tilespmem:s30+$0xFFFFFC50] =	vst v55  }
0x5b: {  	v61 =	vld [tilespmem:s29+$0xFFFFFFC0];
	[tilespmem:s30+$0xFFFFFC60] =	vst v56  }
0x5c: {  	s1 =	sand.u32 $0x80, s1;
	s0 =	sadd.s32 s0, s23;
	v62 =	vld [tilespmem:s29+$0x410];
	[tilespmem:s30+$0x0] =	vst v57  }
0x5d: {  	v63 =	vld [tilespmem:s29+$0x420];
	s27 =	sadd.s32 $0x1, s27;
	s0 =	sadd.s32 s1, s0;
	[tilespmem:s30+$0x10] =	vst v58  }
0x5e: {  	p1 =	sne.s32 s27, $0x8;
	v0 =	vld.idx.msk [tilespmem:v0+s0+$0x400 ss:$0x1], $0xffff;
	[tilespmem:s30+$0x20] =	vst v59  }
.Ltmp4:
0x5f: {  	[tilespmem:s30+$0x30] =	vst v60;
	(pc) =	sbr.rel @p1 .LBB1_3-.Ltmp4, $4  }
0x60: {  	[tilespmem:s30+$0xFFFFFBF0] =	vst v61  }
0x61: {  	[tilespmem:s30+$0x40] =	vst v62  }
0x62: {  	s31 =	sadd.s32 $0x800, s28;
	s21 =	sadd.s32 $0x800, s21;
	[tilespmem:s30+$0x50] =	vst v63  }
0x63: {  	s26 =	sadd.s32 $0x80, s26;
	p0 =	por !p0, !p0;
	s22 =	sadd.s32 $0x80, s22;
	[tilespmem:s31+$0x0] =	vst v0  }
0x64: {  	s0 =	sand.u32 $0x78, s16  }
0x65: {  	s1 =	sshll.u32 s19, $0x9;
	s21 =	sshll.u32 s16, $0x3;
	s28 =	sshll.u32 s19, $0x7  }
0x66: {  	s18 =	sshll.u32 s18, $0x11;
	s17 =	sshll.u32 s17, $0xE;
	s30 =	sand.u32 $0x7, s16  }
0x67: {  	s1 =	sand.u32 $0x1F000, s1;
	s21 =	sand.u32 $0x1FC00, s21;
	s29 =	sand.u32 $0x200, s28  }
0x68: {  	s19 =	sand.u32 $0x180, s28;
	s18 =	sadd.s32 s2, s18;
	s1 =	sadd.s32 s1, s21  }
.Ltmp5:
0x69: {  	s0 =	sor.u32 s19, s0;
	s1 =	sor.u32 s29, s1;
	(pc) =	sbr.rel .LBB1_7-.Ltmp5, $4  }
0x6a: {  	s17 =	sadd.s32 s17, s18;
	s0 =	sshrl.u32 s0, $0x3;
	s1 =	sshrl.u32 s1, $0x3  }
0x6b: {  	s16 =	sshll.u32 s30, $0x12;
	s0 =	sadd.s32 s0, s17;
	s1 =	sand.u32 $0x3FC0, s1  }
0x6c: {  	s31 =	sor.u32 $0x800, s16;
	s0 =	sadd.s32 s1, s0  }
0x6d: {  	[hbm4b:s0+s31] =	stream.strided.scatter [tilespmem:s20], [sflag:$0x2], $0x4000, s9, s31, $0x38;
	[tilespmem:$0x10000] =	vst v63  }
.LBB1_8:
0x6e: {  	_ =	sfence.sel $0x180000  }
0x6f: {  	s0 =	simm.s32 $0x1;
	[bflag:$0x0] =	sbarrier.arrive $0xFFFF  }
0x70: {  	s30 =	simm.s32 $0x2;
	[sflag:s0] =	ssyncpa.u1 $0x1  }
0x71: {  	[sflag:s30] =	ssyncpa.u1 $0x1  }
0x72: {  	_ =	strace $0x9000004A  }
0x73: {  	s31 =	stileid.u32;
	[bflag:$0x2] =	sbarrier.arrive $0xFFFF  }
0x74: {  	p0 =	sne.s32 s31, $0x0;
	s0 =	rddreg [dreg:$0x2]  }
0x75: {  	s0 =	sadd.s32 @!p0 $0x100000, s0  }
0x76: {  	[sflag:s0] =	ssyncadd.tile.s32 @!p0 $0x1;
	_ =	shalt  }
.Lfunc_end1:
_tile_overlayer_lowered:
.L_overlay_start_2:
0x77: {  	(tag) =	ssettag $0x2  }
0x78: {  	s0 =	rddreg [dreg:$0x0];
	s2 =	stileid.u32  }
0x79: {  	s1 =	rddreg [dreg:$0x1];
	p0 =	sne.s32 s2, $0x0  }
0x7a: {  	s3 =	rddreg [dreg:$0x2];
	[bflag:$0x3] =	sbarrier.arrive $0xFFFF;
	s2 =	simm.s32 @!p0 $0x1C01  }
0x7b: {  	[timem:s3], [sflag:s2] =	dma.local @!p0 [hbm:s0], s1  }
0x7c: {  	s0 =	simm.s32 @!p0 $0x1  }
0x7d: {  	_ =	swait.ge @!p0 [sflag:s0], s1  }
0x7e: {  	s1 =	ssub.s32 @!p0 $0x0, s1;
	[sflag:s0] =	ssyncset.done @!p0 $0x0  }
0x7f: {  	[sflag:s0] =	ssyncadd.s32 @!p0 s1  }
0x80: {  	[bflag:$0x3] =	sbarrier.arrive $0xFFFF  }
0x81: {  	_ =	shalt  }

</sc_bundles>
